<compile_context>
chip_gen: v7x
topology: tpu7x:2x2x1
jax: 0.10.2.dev20260603
libtpu: 0.0.44.dev20260713+nightly
codegen_flags: <defaults>
</compile_context>

<pallas_src>
import functools

import jax
import jax.numpy as jnp
from jax import lax
from jax.experimental import pallas as pl
from jax.experimental.pallas import tpu as pltpu
from jax.experimental.pallas import tpu_sc as plsc

B, C_IN, C_OUT, C_COORD, N, K = 2, 256, 256, 3, 4096, 16
NB1 = 256
NB3 = 256
CPAD = 128
HALF = C_OUT // 2
TAB = C_OUT // 2 + CPAD
BIGF = 3e38


def _pack16(x):
    bits = lax.bitcast_convert_type(x, jnp.int32)
    return lax.shift_right_arithmetic(bits + 0x8000, 16) & 0xFFFF


def _unpack_lo(w):
    return lax.bitcast_convert_type(lax.shift_left(w, 16), jnp.float32)


def _unpack_hi(w):
    return lax.bitcast_convert_type(w & jnp.int32(-65536), jnp.float32)



def _stage1a_body(fT_blk_ref, crd_ref, W_phi_ref, b_phi_ref,
                  W_psi_ref, b_psi_ref, W_alpha_ref, b_alpha_ref,
                  phiT_ref, alphaT_ref, tab_ref):
    f_blk = fT_blk_ref[0]
    dims = (((1,), (1,)), ((), ()))
    phiT_ref[0] = lax.dot_general(
        f_blk, W_phi_ref[...], dims,
        preferred_element_type=jnp.float32) + b_phi_ref[...]
    alphaT_ref[0] = lax.dot_general(
        f_blk, W_alpha_ref[...], dims,
        preferred_element_type=jnp.float32) + b_alpha_ref[...]
    psi = lax.dot_general(
        f_blk, W_psi_ref[...], dims,
        preferred_element_type=jnp.float32) + b_psi_ref[...]
    tab_ref[0, :, :HALF] = (_pack16(psi[:, :HALF])
                            | lax.shift_left(_pack16(psi[:, HALF:]), 16))
    tab_ref[0, :, HALF:] = _pack16(crd_ref[0])


def _stage1a(fT, crdT, W_phi, b_phi, W_psi, b_psi, W_alpha, b_alpha):
    nblk = N // NB1
    grid = (1, nblk)
    wspec = pl.BlockSpec((C_OUT, C_IN), lambda b, i: (0, 0))
    bspec = pl.BlockSpec((1, C_OUT), lambda b, i: (0, 0))
    outT = jax.ShapeDtypeStruct((1, N, C_OUT), jnp.float32)
    return pl.pallas_call(
        _stage1a_body,
        grid=grid,
        in_specs=[
            pl.BlockSpec((1, NB1, C_IN), lambda b, i: (b, i, 0)),
            pl.BlockSpec((1, NB1, CPAD), lambda b, i: (b, i, 0)),
            wspec, bspec, wspec, bspec, wspec, bspec,
        ],
        out_specs=[
            pl.BlockSpec((1, NB1, C_OUT), lambda b, i: (b, i, 0)),
            pl.BlockSpec((1, NB1, C_OUT), lambda b, i: (b, i, 0)),
            pl.BlockSpec((1, NB1, TAB), lambda b, i: (b, i, 0)),
        ],
        out_shape=[outT, outT,
                   jax.ShapeDtypeStruct((1, N, TAB), jnp.int32)],
        compiler_params=pltpu.CompilerParams(
            dimension_semantics=("parallel", "parallel")),
    )(fT, crdT, W_phi, b_phi.reshape(1, C_OUT), W_psi,
      b_psi.reshape(1, C_OUT), W_alpha, b_alpha.reshape(1, C_OUT))


def _stage1b_body(fT_all_ref, fT_blk_ref, idx_ref):
    f_all = fT_all_ref[0]
    f_blk = fT_blk_ref[0]
    dims = (((1,), (1,)), ((), ()))
    inner = lax.dot_general(f_all, f_blk, dims,
                            preferred_element_type=jnp.float32)
    sq = jnp.sum(f_all * f_all, axis=1, keepdims=True)
    dist = sq - (inner + inner)

    row_iota = lax.broadcasted_iota(jnp.int32, (N, NB1), 0)
    for k in range(K):
        sel = jnp.argmin(dist, axis=0).astype(jnp.int32)
        idx_ref[0, k] = sel
        dist = jnp.where(row_iota == sel[None, :], BIGF, dist)


def _stage1b(fT, fT_chunk):
    nch = fT_chunk.shape[1]
    nblk = nch // NB1
    grid = (1, nblk)
    return pl.pallas_call(
        _stage1b_body,
        grid=grid,
        in_specs=[
            pl.BlockSpec((1, N, C_IN), lambda b, i: (b, 0, 0)),
            pl.BlockSpec((1, NB1, C_IN), lambda b, i: (b, i, 0)),
        ],
        out_specs=pl.BlockSpec((1, K, NB1), lambda b, i: (b, 0, i)),
        out_shape=jax.ShapeDtypeStruct((1, K, nch), jnp.int32),
        compiler_params=pltpu.CompilerParams(
            dimension_semantics=("parallel", "parallel")),
    )(fT, fT_chunk)



_GW = 128


def _sc_gather(table, idx_flat):
    n_idx = idx_flat.shape[1]
    mesh = plsc.VectorSubcoreMesh(core_axis_name="c", subcore_axis_name="s")

    @functools.partial(
        pl.kernel,
        out_type=jax.ShapeDtypeStruct((n_idx, TAB), jnp.int32),
        mesh=mesh,
    )
    def gather_kernel(tab_hbm, i_hbm, out_hbm):
        def body(i_vmem, o_vmem):
            pltpu.sync_copy(tab_hbm.at[i_vmem.at[0]], o_vmem)

        pltpu.emit_pipeline(
            body,
            grid=(n_idx // _GW,),
            in_specs=[pl.BlockSpec((1, _GW), index_map=lambda i: (0, i))],
            out_specs=[pl.BlockSpec((_GW, TAB), index_map=lambda i: (i, 0))],
            core_axis_name=("c", "s"),
            dimension_semantics=(pltpu.PARALLEL,),
        )(i_hbm, out_hbm)

    return gather_kernel(table, idx_flat)



def _stage2_body(nbr_ref, crdc_ref, phi_ref, alpha_ref,
                 W_t1_ref, b_t1_ref, W_t2_ref, b_t2_ref,
                 W_g1_ref, b_g1_ref, W_g2_ref, b_g2_ref, out_ref):
    dims = (((1,), (1,)), ((), ()))
    M = K * NB3

    nbr = nbr_ref[0]
    psi_w = nbr[:, :, :HALF]
    psi_nbr = jnp.concatenate(
        [_unpack_lo(psi_w), _unpack_hi(psi_w)], axis=-1)
    c_nbr = _unpack_lo(nbr[:, :, HALF:])
    c_ctr = crdc_ref[0]

    bf = jnp.bfloat16
    cs = (c_ctr[None, :, :] - c_nbr).reshape(M, CPAD)
    h = lax.dot_general(cs.astype(bf), W_t1_ref[...].astype(bf), dims,
                        preferred_element_type=jnp.float32) + b_t1_ref[...]
    h = jnp.maximum(h, 0.0)
    delta = lax.dot_general(h.astype(bf), W_t2_ref[...].astype(bf), dims,
                            preferred_element_type=jnp.float32) + b_t2_ref[...]

    ginp = (phi_ref[0][None, :, :] - psi_nbr).reshape(M, C_OUT) + delta
    g = lax.dot_general(ginp.astype(bf), W_g1_ref[...].astype(bf), dims,
                        preferred_element_type=jnp.float32) + b_g1_ref[...]
    g = jnp.maximum(g, 0.0)
    gamma = lax.dot_general(g.astype(bf), W_g2_ref[...].astype(bf), dims,
                            preferred_element_type=jnp.float32) + b_g2_ref[...]

    gamma = gamma.reshape(K, NB3, C_OUT)
    delta = delta.reshape(K, NB3, C_OUT)
    m = jnp.max(gamma, axis=0)
    e = jnp.exp(gamma - m[None, :, :])
    s = jnp.sum(e, axis=0)
    acc = jnp.sum(e * delta, axis=0)
    out_ref[0] = alpha_ref[0] + acc / s


def _stage2(nbr, crdT, phiT, alphaT,
            W_t1p, b_t1, W_t2, b_t2, W_g1, b_g1, W_g2, b_g2):
    npts = nbr.shape[2]
    nblk = npts // NB3
    grid = (1, nblk)
    wspec = pl.BlockSpec((C_OUT, C_OUT), lambda b, i: (0, 0))
    bspec = pl.BlockSpec((1, C_OUT), lambda b, i: (0, 0))
    return pl.pallas_call(
        _stage2_body,
        grid=grid,
        in_specs=[
            pl.BlockSpec((1, K, NB3, TAB), lambda b, i: (b, 0, i, 0)),
            pl.BlockSpec((1, NB3, CPAD), lambda b, i: (b, i, 0)),
            pl.BlockSpec((1, NB3, C_OUT), lambda b, i: (b, i, 0)),
            pl.BlockSpec((1, NB3, C_OUT), lambda b, i: (b, i, 0)),
            pl.BlockSpec((C_OUT, CPAD), lambda b, i: (0, 0)), bspec,
            wspec, bspec, wspec, bspec, wspec, bspec,
        ],
        out_specs=pl.BlockSpec((1, NB3, C_OUT), lambda b, i: (b, i, 0)),
        out_shape=jax.ShapeDtypeStruct((1, npts, C_OUT), jnp.float32),
        compiler_params=pltpu.CompilerParams(
            dimension_semantics=("parallel", "parallel")),
    )(nbr, crdT, phiT, alphaT,
      W_t1p, b_t1.reshape(1, C_OUT), W_t2, b_t2.reshape(1, C_OUT),
      W_g1, b_g1.reshape(1, C_OUT), W_g2, b_g2.reshape(1, C_OUT))



def kernel(features, coords, W_phi, b_phi, W_psi, b_psi, W_alpha, b_alpha,
           W_g1, b_g1, W_g2, b_g2, W_t1, b_t1, W_t2, b_t2):
    fT = jnp.transpose(features, (0, 2, 1))
    crdT = jnp.pad(jnp.transpose(coords, (0, 2, 1)),
                   ((0, 0), (0, 0), (0, CPAD - C_COORD)))
    W_t1p = jnp.pad(W_t1, ((0, 0), (0, CPAD - C_COORD)))

    NCH = N
    outs = []
    for b in range(B):
        phiT, alphaT, table = _stage1a(
            fT[b:b + 1], crdT[b:b + 1],
            W_phi, b_phi, W_psi, b_psi, W_alpha, b_alpha)
        chunks = []
        for c in range(N // NCH):
            lo, hi = c * NCH, (c + 1) * NCH
            idx_c = _stage1b(fT[b:b + 1], fT[b:b + 1, lo:hi])
            nbr = _gather_rows(table.reshape(N, TAB),
                               idx_c.reshape(1, K * NCH))
            chunks.append(_stage2(
                nbr.reshape(1, K, NCH, TAB), crdT[b:b + 1, lo:hi],
                phiT[:, lo:hi], alphaT[:, lo:hi],
                W_t1p, b_t1, W_t2, b_t2, W_g1, b_g1, W_g2, b_g2))
        outs.append(jnp.concatenate(chunks, axis=1))
    outT = jnp.concatenate(outs, axis=0)
    return jnp.transpose(outT, (0, 2, 1))


_gather_rows = _sc_gather

# --- scband reference (transcript-rebuilt; emitter-appended) ---
"""Pipeline reference for scband-point-transformer-layer-7473243095306 (READ-ONLY COPY).

The authoritative reference and input builder live on the scoring server;
editing this copy changes nothing except your own understanding.
"""

import jax, jax.numpy as jnp
import numpy as np

B, C_IN, C_OUT, C_COORD, N, K = 2, 256, 256, 3, 4096, 16

def conv1d(x, W, b):
    # x: (B, Cin, N), W: (Cout, Cin), b: (Cout,)
    return jnp.einsum('oi,bin->bon', W, x) + b[None, :, None]

def conv2d(x, W, b):
    # x: (B, Cin, N, K), W: (Cout, Cin), b: (Cout,)
    return jnp.einsum('oi,bink->bonk', W, x) + b[None, :, None, None]

def knn_indices_fn(x, k):
    # x: (B, C, N) -> indices (B, N, k) of nearest neighbors by squared L2 in feature space
    sq = jnp.sum(x * x, axis=1)                      # (B, N)
    inner = jnp.einsum('bcn,bcm->bnm', x, x)         # (B, N, N)
    dist = sq[:, :, None] + sq[:, None, :] - 2.0 * inner
    _, idx = jax.lax.top_k(-dist, k)                 # (B, N, k)
    return idx

def index2points(points, idx):
    # points: (B, C, N), idx: (B, N, k) -> (B, C, N, k)
    return jax.vmap(lambda p, i: jnp.take(p, i, axis=1))(points, idx)

def setup_inputs(seed: int = 0):
    key = jax.random.key(seed)
    ks = jax.random.split(key, 20)
    s = 0.05
    return {
        'features': jax.random.normal(ks[0], (B, C_IN, N), jnp.float32),
        'coords': jax.random.normal(ks[1], (B, C_COORD, N), jnp.float32),
        'W_phi': jax.random.normal(ks[2], (C_OUT, C_IN), jnp.float32) * s,
        'b_phi': jnp.zeros((C_OUT,), jnp.float32),
        'W_psi': jax.random.normal(ks[3], (C_OUT, C_IN), jnp.float32) * s,
        'b_psi': jnp.zeros((C_OUT,), jnp.float32),
        'W_alpha': jax.random.normal(ks[4], (C_OUT, C_IN), jnp.float32) * s,
        'b_alpha': jnp.zeros((C_OUT,), jnp.float32),
        'W_g1': jax.random.normal(ks[5], (C_OUT, C_OUT), jnp.float32) * s,
        'b_g1': jnp.zeros((C_OUT,), jnp.float32),
        'W_g2': jax.random.normal(ks[6], (C_OUT, C_OUT), jnp.float32) * s,
        'b_g2': jnp.zeros((C_OUT,), jnp.float32),
        'W_t1': jax.random.normal(ks[7], (C_OUT, C_COORD), jnp.float32) * s,
        'b_t1': jnp.zeros((C_OUT,), jnp.float32),
        'W_t2': jax.random.normal(ks[8], (C_OUT, C_OUT), jnp.float32) * s,
        'b_t2': jnp.zeros((C_OUT,), jnp.float32),
    }

def reference(features, coords, W_phi, b_phi, W_psi, b_psi, W_alpha, b_alpha,
              W_g1, b_g1, W_g2, b_g2, W_t1, b_t1, W_t2, b_t2):
    out_phi = conv1d(features, W_phi, b_phi)      # (B, Cout, N)
    out_psi = conv1d(features, W_psi, b_psi)      # (B, Cout, N)
    out_alpha = conv1d(features, W_alpha, b_alpha)  # (B, Cout, N)
    idx = knn_indices_fn(features, K)             # (B, N, K)
    knn_psi = index2points(out_psi, idx)          # (B, Cout, N, K)
    # localize(center, knn) = knn - center[..., None]; then * -1
    features_space = -(knn_psi - out_phi[:, :, :, None])
    # position encoding
    knn_coords = index2points(coords, idx)        # (B, Cc, N, K)
    coords_space = -(knn_coords - coords[:, :, :, None])
    h = conv2d(coords_space, W_t1, b_t1)
    h = jax.nn.relu(h)
    out_delta = conv2d(h, W_t2, b_t2)             # (B, Cout, N, K)
    g = conv2d(features_space + out_delta, W_g1, b_g1)
    g = jax.nn.relu(g)
    out_gamma = conv2d(g, W_g2, b_g2)             # (B, Cout, N, K)
    out_rho = jax.nn.softmax(out_gamma, axis=-1)
    alpha_rep = out_alpha[:, :, :, None]          # broadcast over K
    alpha_delta = alpha_rep + out_delta
    out = jnp.einsum('bcnk,bcnk->bcn', out_rho, alpha_delta)
    return out

if __name__ == "__main__":
    import jax
    _d = setup_inputs()
    print(jax.jit(kernel)(*tuple(_d.values())))

</pallas_src>

<mosaic_0001>
#map = affine_map<(d0, d1) -> (0, 0)>
module attributes {stable_mosaic.version = 14 : i64} {
  func.func @gather_kernel(%arg0: i32, %arg1: i32, %arg2: memref<4096x256xi32, #tpu.memory_space<hbm>>, %arg3: memref<1x65536xi32, #tpu.memory_space<hbm>>, %arg4: memref<65536x256xi32, #tpu.memory_space<hbm>>) attributes {dimension_semantics = [#tpu.dimension_semantics<core_parallel>, #tpu.dimension_semantics<subcore_parallel>], iteration_bounds = array<i64: 2, 16>, scalar_prefetch = 0 : i64, scratch_operands = 0 : i64, tpu.core_type = #tpu.core_type<sc_vector_subcore>, window_params = [{transform_indices = #map}, {transform_indices = #map}, {transform_indices = #map}]} {
    %mul3A = arith.constant 1 : i32
    %mul3A_0 = arith.muli %arg1, %mul3A : i32
    %add3A = arith.constant 0 : i32
    %add3A_1 = arith.addi %add3A, %mul3A_0 : i32
    %mul3A_2 = arith.constant 16 : i32
    %mul3A_3 = arith.muli %arg0, %mul3A_2 : i32
    %add3A_4 = arith.addi %add3A_1, %mul3A_3 : i32
    %mul3A_5 = arith.constant 16 : i32
    %mul3A_6 = arith.muli %add3A_4, %mul3A_5 : i32
    "tpu.region"() ({
      %run_scoped3A = memref.alloca() : memref<2x1x128xi32, #tpu.memory_space<vmem>>
      %run_scoped3A_7 = tpu.sem_alloc : memref<2x!tpu.dma_semaphore, #tpu.memory_space<semaphore_mem>>
      %run_scoped3A_8 = memref.alloca() : memref<2x128x256xi32, #tpu.memory_space<vmem>>
      %run_scoped3A_9 = tpu.sem_alloc : memref<2x!tpu.dma_semaphore, #tpu.memory_space<semaphore_mem>>
      %add3A_10 = arith.constant 0 : i32
      %add3A_11 = arith.addi %add3A_10, %mul3A_6 : i32
      %select_n3A = arith.constant true
      %select_n3A_12 = arith.constant 0 : i32
      %select_n3A_13 = arith.constant -1 : i32
      %select_n3A_14 = arith.select %select_n3A, %select_n3A_13, %select_n3A_12 : i32
      %eq3A = arith.constant -1 : i32
      %eq3A_15 = arith.cmpi eq, %select_n3A_14, %eq3A : i32
      %select_n3A_16 = arith.constant 15 : i32
      %select_n3A_17 = arith.select %eq3A_15, %select_n3A_16, %select_n3A_14 : i32
      %add3A_18 = arith.addi %select_n3A_17, %mul3A_6 : i32
      %select_n3A_19 = arith.constant true
      %select_n3A_20 = arith.constant 0 : i32
      %select_n3A_21 = arith.constant 1 : i32
      %select_n3A_22 = arith.select %select_n3A_19, %select_n3A_21, %select_n3A_20 : i32
      %eq3A_23 = arith.constant 16 : i32
      %eq3A_24 = arith.cmpi eq, %select_n3A_22, %eq3A_23 : i32
      %select_n3A_25 = arith.constant 0 : i32
      %select_n3A_26 = arith.select %eq3A_24, %select_n3A_25, %select_n3A_22 : i32
      %add3A_27 = arith.addi %select_n3A_26, %mul3A_6 : i32
      %add3A_28 = arith.constant 1 : i32
      %add3A_29 = arith.addi %select_n3A_26, %add3A_28 : i32
      %select_n3A_30 = arith.constant true
      %select_n3A_31 = arith.select %select_n3A_30, %add3A_29, %select_n3A_26 : i32
      %eq3A_32 = arith.constant 16 : i32
      %eq3A_33 = arith.cmpi eq, %select_n3A_31, %eq3A_32 : i32
      %select_n3A_34 = arith.constant 0 : i32
      %select_n3A_35 = arith.select %eq3A_33, %select_n3A_34, %select_n3A_31 : i32
      %add3A_36 = arith.addi %select_n3A_35, %mul3A_6 : i32
      "tpu.trace_start"() <{level = 10 : i32, message = "ep_initialize_0"}> : () -> ()
      %rem3A = arith.constant 0 : i32
      %rem3A_37 = arith.constant 2 : i32
      %rem3A_38 = arith.remui %rem3A, %rem3A_37 : i32
      %mul3A_39 = arith.constant 128 : i32
      %mul3A_40 = arith.muli %mul3A_39, %add3A_11 : i32
      %dma_start3A = arith.constant 0 : i32
      %dma_start3A_41 = arith.constant 0 : i32
      %dma_start3A_42 = tpu.memref_slice %run_scoped3A[%rem3A_38, %dma_start3A, %dma_start3A_41] : memref<2x1x128xi32, #tpu.memory_space<vmem>> -> memref<1x1x128xi32, #tpu.memory_space<vmem>>
      %dma_start3A_43 = tpu.memref_squeeze %dma_start3A_42 : memref<1x1x128xi32, #tpu.memory_space<vmem>> -> memref<1x128xi32, #tpu.memory_space<vmem>>
      %dma_start3A_44 = arith.constant 0 : i32
      %dma_start3A_45 = tpu.memref_slice %arg3[%dma_start3A_44, %mul3A_40] : memref<1x65536xi32, #tpu.memory_space<hbm>> -> memref<1x128xi32, #tpu.memory_space<hbm>>
      %dma_start3A_46 = tpu.memref_slice %run_scoped3A_7[%rem3A_38] : memref<2x!tpu.dma_semaphore, #tpu.memory_space<semaphore_mem>> -> memref<1x!tpu.dma_semaphore, #tpu.memory_space<semaphore_mem>>
      %dma_start3A_47 = tpu.memref_squeeze %dma_start3A_46 : memref<1x!tpu.dma_semaphore, #tpu.memory_space<semaphore_mem>> -> memref<!tpu.dma_semaphore, #tpu.memory_space<semaphore_mem>>
      %dma_start3A_48 = arith.constant 0 : i32
      %dma_start3A_49 = arith.constant 0 : i32
      %dma_start3A_50 = tpu.memref_slice %run_scoped3A[%rem3A_38, %dma_start3A_48, %dma_start3A_49] : memref<2x1x128xi32, #tpu.memory_space<vmem>> -> memref<1x1x128xi32, #tpu.memory_space<vmem>>
      %dma_start3A_51 = tpu.memref_squeeze %dma_start3A_50 : memref<1x1x128xi32, #tpu.memory_space<vmem>> -> memref<1x128xi32, #tpu.memory_space<vmem>>
      %dma_start3A_52 = arith.constant 0 : i32
      %dma_start3A_53 = tpu.memref_slice %arg3[%dma_start3A_52, %mul3A_40] : memref<1x65536xi32, #tpu.memory_space<hbm>> -> memref<1x128xi32, #tpu.memory_space<hbm>>
      tpu.enqueue_dma source(%dma_start3A_53 : memref<1x128xi32, #tpu.memory_space<hbm>>) target(%dma_start3A_51 : memref<1x128xi32, #tpu.memory_space<vmem>>) target_semaphore(%dma_start3A_47 : memref<!tpu.dma_semaphore, #tpu.memory_space<semaphore_mem>>)
      %add3A_54 = arith.constant 0 : i32
      %add3A_55 = arith.constant 1 : i32
      %add3A_56 = arith.addi %add3A_54, %add3A_55 : i32
      %select_n3A_57 = arith.constant true
      %select_n3A_58 = arith.constant 0 : i32
      %select_n3A_59 = arith.select %select_n3A_57, %add3A_56, %select_n3A_58 : i32
      "tpu.trace_stop"() : () -> ()
      %scan3A = arith.constant 0 : i32
      %scan3A_60 = arith.constant 0 : i32
      %scan3A_61 = arith.constant 0 : i32
      %scan3A_62 = arith.constant 0 : i32
      %scan3A_63 = arith.constant 0 : i32
      %scan3A_64 = arith.constant 16 : i32
      %scan3A_65 = arith.addi %scan3A_63, %scan3A_64 : i32
      %scan3A_66 = arith.constant 1 : i32
      %scan3A_67:5 = scf.for %scan3A_121 = %scan3A_63 to %scan3A_65 step %scan3A_66 iter_args(%scan3A_122 = %select_n3A_59, %scan3A_123 = %scan3A, %scan3A_124 = %scan3A_60, %scan3A_125 = %scan3A_61, %scan3A_126 = %scan3A_62) -> (i32, i32, i32, i32, i32)  : i32 {
        %eq3A_127 = arith.constant 0 : i32
        %eq3A_128 = arith.cmpi eq, %scan3A_121, %eq3A_127 : i32
        %eq3A_129 = arith.constant 15 : i32
        %eq3A_130 = arith.cmpi eq, %scan3A_121, %eq3A_129 : i32
        %add3A_131 = arith.addi %scan3A_126, %mul3A_6 : i32
        %sub3A_132 = arith.constant 1 : i32
        %sub3A_133 = arith.subi %scan3A_126, %sub3A_132 : i32
        %select_n3A_134 = arith.constant true
        %select_n3A_135 = arith.select %select_n3A_134, %sub3A_133, %scan3A_126 : i32
        %eq3A_136 = arith.constant -1 : i32
        %eq3A_137 = arith.cmpi eq, %select_n3A_135, %eq3A_136 : i32
        %select_n3A_138 = arith.constant 15 : i32
        %select_n3A_139 = arith.select %eq3A_137, %select_n3A_138, %select_n3A_135 : i32
        %add3A_140 = arith.addi %select_n3A_139, %mul3A_6 : i32
        %add3A_141 = arith.constant 1 : i32
        %add3A_142 = arith.addi %scan3A_126, %add3A_141 : i32
        %select_n3A_143 = arith.constant true
        %select_n3A_144 = arith.select %select_n3A_143, %add3A_142, %scan3A_126 : i32
        %eq3A_145 = arith.constant 16 : i32
        %eq3A_146 = arith.cmpi eq, %select_n3A_144, %eq3A_145 : i32
        %select_n3A_147 = arith.constant 0 : i32
        %select_n3A_148 = arith.select %eq3A_146, %select_n3A_147, %select_n3A_144 : i32
        %add3A_149 = arith.addi %select_n3A_148, %mul3A_6 : i32
        %add3A_150 = arith.constant 1 : i32
        %add3A_151 = arith.addi %select_n3A_148, %add3A_150 : i32
        %select_n3A_152 = arith.constant true
        %select_n3A_153 = arith.select %select_n3A_152, %add3A_151, %select_n3A_148 : i32
        %eq3A_154 = arith.constant 16 : i32
        %eq3A_155 = arith.cmpi eq, %select_n3A_153, %eq3A_154 : i32
        %select_n3A_156 = arith.constant 0 : i32
        %select_n3A_157 = arith.select %eq3A_155, %select_n3A_156, %select_n3A_153 : i32
        %add3A_158 = arith.addi %select_n3A_157, %mul3A_6 : i32
        %ne3A = arith.cmpi ne, %add3A_131, %add3A_149 : i32
        %or3A = arith.constant false
        %or3A_159 = arith.ori %or3A, %ne3A : i1
        %ge3A = arith.constant 15 : i32
        %ge3A_160 = arith.cmpi sge, %scan3A_121, %ge3A : i32
        %not3A = arith.constant true
        %not3A_161 = arith.xori %ge3A_160, %not3A : i1
        %and3A = arith.andi %or3A_159, %not3A_161 : i1
        %convert_element_type3A = arith.extui %and3A : i1 to i32
        %cond3A = arith.constant 0 : i32
        %cond3A_162 = arith.cmpi ne, %convert_element_type3A, %cond3A : i32
        scf.if %cond3A_162 {
          "tpu.trace_start"() <{level = 10 : i32, message = "ep_copy_in"}> : () -> ()
          %rem3A_264 = arith.constant 2 : i32
          %rem3A_265 = arith.remui %scan3A_122, %rem3A_264 : i32
          %mul3A_266 = arith.constant 128 : i32
          %mul3A_267 = arith.muli %mul3A_266, %add3A_149 : i32
          %dma_start3A_268 = arith.constant 0 : i32
          %dma_start3A_269 = arith.constant 0 : i32
          %dma_start3A_270 = tpu.memref_slice %run_scoped3A[%rem3A_265, %dma_start3A_268, %dma_start3A_269] : memref<2x1x128xi32, #tpu.memory_space<vmem>> -> memref<1x1x128xi32, #tpu.memory_space<vmem>>
          %dma_start3A_271 = tpu.memref_squeeze %dma_start3A_270 : memref<1x1x128xi32, #tpu.memory_space<vmem>> -> memref<1x128xi32, #tpu.memory_space<vmem>>
          %dma_start3A_272 = arith.constant 0 : i32
          %dma_start3A_273 = tpu.memref_slice %arg3[%dma_start3A_272, %mul3A_267] : memref<1x65536xi32, #tpu.memory_space<hbm>> -> memref<1x128xi32, #tpu.memory_space<hbm>>
          %dma_start3A_274 = tpu.memref_slice %run_scoped3A_7[%rem3A_265] : memref<2x!tpu.dma_semaphore, #tpu.memory_space<semaphore_mem>> -> memref<1x!tpu.dma_semaphore, #tpu.memory_space<semaphore_mem>>
          %dma_start3A_275 = tpu.memref_squeeze %dma_start3A_274 : memref<1x!tpu.dma_semaphore, #tpu.memory_space<semaphore_mem>> -> memref<!tpu.dma_semaphore, #tpu.memory_space<semaphore_mem>>
          %dma_start3A_276 = arith.constant 0 : i32
          %dma_start3A_277 = arith.constant 0 : i32
          %dma_start3A_278 = tpu.memref_slice %run_scoped3A[%rem3A_265, %dma_start3A_276, %dma_start3A_277] : memref<2x1x128xi32, #tpu.memory_space<vmem>> -> memref<1x1x128xi32, #tpu.memory_space<vmem>>
          %dma_start3A_279 = tpu.memref_squeeze %dma_start3A_278 : memref<1x1x128xi32, #tpu.memory_space<vmem>> -> memref<1x128xi32, #tpu.memory_space<vmem>>
          %dma_start3A_280 = arith.constant 0 : i32
          %dma_start3A_281 = tpu.memref_slice %arg3[%dma_start3A_280, %mul3A_267] : memref<1x65536xi32, #tpu.memory_space<hbm>> -> memref<1x128xi32, #tpu.memory_space<hbm>>
          tpu.enqueue_dma source(%dma_start3A_281 : memref<1x128xi32, #tpu.memory_space<hbm>>) target(%dma_start3A_279 : memref<1x128xi32, #tpu.memory_space<vmem>>) target_semaphore(%dma_start3A_275 : memref<!tpu.dma_semaphore, #tpu.memory_space<semaphore_mem>>)
          "tpu.trace_stop"() : () -> ()
        } else {
        }
        %and3A_163 = arith.constant true
        %and3A_164 = arith.andi %and3A, %and3A_163 : i1
        %add3A_165 = arith.constant 1 : i32
        %add3A_166 = arith.addi %scan3A_122, %add3A_165 : i32
        %select_n3A_167 = arith.select %and3A_164, %add3A_166, %scan3A_122 : i32
        %ne3A_168 = arith.cmpi ne, %add3A_131, %add3A_149 : i32
        %or3A_169 = arith.constant false
        %or3A_170 = arith.ori %or3A_169, %ne3A_168 : i1
        %or3A_171 = arith.constant false
        %or3A_172 = arith.ori %or3A_170, %or3A_171 : i1
        %ge3A_173 = arith.constant 15 : i32
        %ge3A_174 = arith.cmpi sge, %scan3A_121, %ge3A_173 : i32
        %not3A_175 = arith.constant true
        %not3A_176 = arith.xori %ge3A_174, %not3A_175 : i1
        %and3A_177 = arith.andi %or3A_172, %not3A_176 : i1
        %ne3A_178 = arith.cmpi ne, %add3A_131, %add3A_140 : i32
        %or3A_179 = arith.constant false
        %or3A_180 = arith.ori %or3A_179, %ne3A_178 : i1
        %or3A_181 = arith.ori %or3A_180, %eq3A_128 : i1
        %convert_element_type3A_182 = arith.extui %or3A_181 : i1 to i32
        %cond3A_183 = arith.constant 0 : i32
        %cond3A_184 = arith.cmpi ne, %convert_element_type3A_182, %cond3A_183 : i32
        scf.if %cond3A_184 {
          "tpu.trace_start"() <{level = 10 : i32, message = "ep_wait_in"}> : () -> ()
          %mul3A_264 = arith.constant 128 : i32
          %mul3A_265 = arith.muli %mul3A_264, %add3A_131 : i32
          %rem3A_266 = arith.constant 2 : i32
          %rem3A_267 = arith.remui %scan3A_123, %rem3A_266 : i32
          %dma_wait3A_268 = arith.constant 0 : i32
          %dma_wait3A_269 = arith.constant 0 : i32
          %dma_wait3A_270 = tpu.memref_slice %run_scoped3A[%rem3A_267, %dma_wait3A_268, %dma_wait3A_269] : memref<2x1x128xi32, #tpu.memory_space<vmem>> -> memref<1x1x128xi32, #tpu.memory_space<vmem>>
          %dma_wait3A_271 = tpu.memref_squeeze %dma_wait3A_270 : memref<1x1x128xi32, #tpu.memory_space<vmem>> -> memref<1x128xi32, #tpu.memory_space<vmem>>
          %dma_wait3A_272 = arith.constant 0 : i32
          %dma_wait3A_273 = tpu.memref_slice %arg3[%dma_wait3A_272, %mul3A_265] : memref<1x65536xi32, #tpu.memory_space<hbm>> -> memref<1x128xi32, #tpu.memory_space<hbm>>
          %dma_wait3A_274 = tpu.memref_slice %run_scoped3A_7[%rem3A_267] : memref<2x!tpu.dma_semaphore, #tpu.memory_space<semaphore_mem>> -> memref<1x!tpu.dma_semaphore, #tpu.memory_space<semaphore_mem>>
          %dma_wait3A_275 = tpu.memref_squeeze %dma_wait3A_274 : memref<1x!tpu.dma_semaphore, #tpu.memory_space<semaphore_mem>> -> memref<!tpu.dma_semaphore, #tpu.memory_space<semaphore_mem>>
          %dma_wait3A_276 = arith.constant 0 : i32
          %dma_wait3A_277 = arith.constant 0 : i32
          %dma_wait3A_278 = tpu.memref_slice %run_scoped3A[%rem3A_267, %dma_wait3A_276, %dma_wait3A_277] : memref<2x1x128xi32, #tpu.memory_space<vmem>> -> memref<1x1x128xi32, #tpu.memory_space<vmem>>
          %dma_wait3A_279 = tpu.memref_squeeze %dma_wait3A_278 : memref<1x1x128xi32, #tpu.memory_space<vmem>> -> memref<1x128xi32, #tpu.memory_space<vmem>>
          %dma_wait3A_280 = arith.constant 0 : i32
          %dma_wait3A_281 = tpu.memref_slice %arg3[%dma_wait3A_280, %mul3A_265] : memref<1x65536xi32, #tpu.memory_space<hbm>> -> memref<1x128xi32, #tpu.memory_space<hbm>>
          tpu.wait_dma2 semaphore(%dma_wait3A_275 : memref<!tpu.dma_semaphore, #tpu.memory_space<semaphore_mem>>) src(%dma_wait3A_281 : memref<1x128xi32, #tpu.memory_space<hbm>>) dst(%dma_wait3A_279 : memref<1x128xi32, #tpu.memory_space<vmem>>)
          "tpu.trace_stop"() : () -> ()
        } else {
        }
        %ne3A_185 = arith.cmpi ne, %add3A_131, %add3A_140 : i32
        %or3A_186 = arith.constant false
        %or3A_187 = arith.ori %or3A_186, %ne3A_185 : i1
        %or3A_188 = arith.constant false
        %or3A_189 = arith.ori %or3A_187, %or3A_188 : i1
        %or3A_190 = arith.ori %or3A_189, %eq3A_128 : i1
        %convert_element_type3A_191 = arith.extui %or3A_190 : i1 to i32
        %cond3A_192 = arith.constant 0 : i32
        %cond3A_193 = arith.cmpi ne, %convert_element_type3A_191, %cond3A_192 : i32
        scf.if %cond3A_193 {
        } else {
        }
        %rem3A_194 = arith.constant 2 : i32
        %rem3A_195 = arith.remui %scan3A_123, %rem3A_194 : i32
        %rem3A_196 = arith.constant 2 : i32
        %rem3A_197 = arith.remui %scan3A_124, %rem3A_196 : i32
        %run_scoped3A_198 = arith.constant 0 : i32
        "tpu.trace_start"() <{level = 10 : i32, message = "ep_run_kernel"}> : () -> ()
        "tpu.region"() ({
          %run_scoped3A_264 = tpu.sem_alloc : memref<!tpu.dma_semaphore, #tpu.memory_space<semaphore_mem>>
          %dma_start3A_265 = arith.constant 0 : i32
          %dma_start3A_266 = arith.constant 0 : i32
          %dma_start3A_267 = tpu.memref_slice %run_scoped3A_8[%rem3A_197, %dma_start3A_265, %dma_start3A_266] : memref<2x128x256xi32, #tpu.memory_space<vmem>> -> memref<1x128x256xi32, #tpu.memory_space<vmem>>
          %dma_start3A_268 = tpu.memref_squeeze %dma_start3A_267 : memref<1x128x256xi32, #tpu.memory_space<vmem>> -> memref<128x256xi32, #tpu.memory_space<vmem>>
          %dma_start3A_269 = arith.constant 0 : i32
          %dma_start3A_270 = arith.constant 0 : i32
          %dma_start3A_271 = tpu.memref_slice %run_scoped3A[%rem3A_195, %dma_start3A_269, %dma_start3A_270] : memref<2x1x128xi32, #tpu.memory_space<vmem>> -> memref<1x1x128xi32, #tpu.memory_space<vmem>>
          %dma_start3A_272 = tpu.memref_squeeze %dma_start3A_271 : memref<1x1x128xi32, #tpu.memory_space<vmem>> -> memref<1x128xi32, #tpu.memory_space<vmem>>
          %dma_start3A_273 = arith.constant 0 : i32
          %dma_start3A_274 = tpu.memref_slice %dma_start3A_272[%run_scoped3A_198, %dma_start3A_273] : memref<1x128xi32, #tpu.memory_space<vmem>> -> memref<1x128xi32, #tpu.memory_space<vmem>>
          %dma_start3A_275 = tpu.memref_squeeze %dma_start3A_274 : memref<1x128xi32, #tpu.memory_space<vmem>> -> memref<128xi32, #tpu.memory_space<vmem>>
          %dma_start3A_276 = arith.constant 0 : i32
          %dma_start3A_277 = arith.constant 0 : i32
          %dma_start3A_278 = tpu.memref_slice %arg2[%dma_start3A_276, %dma_start3A_277] : memref<4096x256xi32, #tpu.memory_space<hbm>> -> memref<4096x256xi32, #tpu.memory_space<hbm>>
          tpu.enqueue_indirect_dma source(%dma_start3A_278 : memref<4096x256xi32, #tpu.memory_space<hbm>>) target(%dma_start3A_268 : memref<128x256xi32, #tpu.memory_space<vmem>>) offsets(%dma_start3A_275 : memref<128xi32, #tpu.memory_space<vmem>>) semaphore(%run_scoped3A_264 : memref<!tpu.dma_semaphore, #tpu.memory_space<semaphore_mem>>)
          %dma_wait3A_279 = arith.constant 0 : i32
          %dma_wait3A_280 = arith.constant 0 : i32
          %dma_wait3A_281 = tpu.memref_slice %run_scoped3A_8[%rem3A_197, %dma_wait3A_279, %dma_wait3A_280] : memref<2x128x256xi32, #tpu.memory_space<vmem>> -> memref<1x128x256xi32, #tpu.memory_space<vmem>>
          %dma_wait3A_282 = tpu.memref_squeeze %dma_wait3A_281 : memref<1x128x256xi32, #tpu.memory_space<vmem>> -> memref<128x256xi32, #tpu.memory_space<vmem>>
          %dma_wait3A_283 = arith.constant 0 : i32
          %dma_wait3A_284 = arith.constant 0 : i32
          %dma_wait3A_285 = tpu.memref_slice %run_scoped3A[%rem3A_195, %dma_wait3A_283, %dma_wait3A_284] : memref<2x1x128xi32, #tpu.memory_space<vmem>> -> memref<1x1x128xi32, #tpu.memory_space<vmem>>
          %dma_wait3A_286 = tpu.memref_squeeze %dma_wait3A_285 : memref<1x1x128xi32, #tpu.memory_space<vmem>> -> memref<1x128xi32, #tpu.memory_space<vmem>>
          %dma_wait3A_287 = arith.constant 0 : i32
          %dma_wait3A_288 = tpu.memref_slice %dma_wait3A_286[%run_scoped3A_198, %dma_wait3A_287] : memref<1x128xi32, #tpu.memory_space<vmem>> -> memref<1x128xi32, #tpu.memory_space<vmem>>
          %dma_wait3A_289 = tpu.memref_squeeze %dma_wait3A_288 : memref<1x128xi32, #tpu.memory_space<vmem>> -> memref<128xi32, #tpu.memory_space<vmem>>
          %dma_wait3A_290 = arith.constant 0 : i32
          %dma_wait3A_291 = arith.constant 0 : i32
          %dma_wait3A_292 = tpu.memref_slice %arg2[%dma_wait3A_290, %dma_wait3A_291] : memref<4096x256xi32, #tpu.memory_space<hbm>> -> memref<4096x256xi32, #tpu.memory_space<hbm>>
          tpu.wait_indirect_dma semaphore(%run_scoped3A_264 : memref<!tpu.dma_semaphore, #tpu.memory_space<semaphore_mem>>) src(%dma_wait3A_292 : memref<4096x256xi32, #tpu.memory_space<hbm>>) dst(%dma_wait3A_282 : memref<128x256xi32, #tpu.memory_space<vmem>>)
          tpu.yield
        }) : () -> ()
        "tpu.trace_stop"() : () -> ()
        %ne3A_199 = arith.cmpi ne, %add3A_131, %add3A_149 : i32
        %or3A_200 = arith.constant false
        %or3A_201 = arith.ori %or3A_200, %ne3A_199 : i1
        %or3A_202 = arith.ori %or3A_201, %eq3A_130 : i1
        %convert_element_type3A_203 = arith.extui %or3A_202 : i1 to i32
        %cond3A_204 = arith.constant 0 : i32
        %cond3A_205 = arith.cmpi ne, %convert_element_type3A_203, %cond3A_204 : i32
        scf.if %cond3A_205 {
        } else {
        }
        %and3A_206 = arith.constant false
        %and3A_207 = arith.andi %or3A_202, %and3A_206 : i1
        %ne3A_208 = arith.cmpi ne, %add3A_131, %add3A_149 : i32
        %or3A_209 = arith.constant false
        %or3A_210 = arith.ori %or3A_209, %ne3A_208 : i1
        %or3A_211 = arith.constant false
        %or3A_212 = arith.ori %or3A_210, %or3A_211 : i1
        %or3A_213 = arith.ori %or3A_212, %eq3A_130 : i1
        %convert_element_type3A_214 = arith.extui %or3A_213 : i1 to i32
        %cond3A_215 = arith.constant 0 : i32
        %cond3A_216 = arith.cmpi ne, %convert_element_type3A_214, %cond3A_215 : i32
        scf.if %cond3A_216 {
          "tpu.trace_start"() <{level = 10 : i32, message = "ep_copy_out"}> : () -> ()
          %rem3A_264 = arith.constant 2 : i32
          %rem3A_265 = arith.remui %scan3A_124, %rem3A_264 : i32
          %mul3A_266 = arith.constant 128 : i32
          %mul3A_267 = arith.muli %mul3A_266, %add3A_131 : i32
          %dma_start3A_268 = arith.constant 0 : i32
          %dma_start3A_269 = arith.constant 0 : i32
          %dma_start3A_270 = tpu.memref_slice %run_scoped3A_8[%rem3A_265, %dma_start3A_268, %dma_start3A_269] : memref<2x128x256xi32, #tpu.memory_space<vmem>> -> memref<1x128x256xi32, #tpu.memory_space<vmem>>
          %dma_start3A_271 = tpu.memref_squeeze %dma_start3A_270 : memref<1x128x256xi32, #tpu.memory_space<vmem>> -> memref<128x256xi32, #tpu.memory_space<vmem>>
          %dma_start3A_272 = arith.constant 0 : i32
          %dma_start3A_273 = tpu.memref_slice %arg4[%mul3A_267, %dma_start3A_272] : memref<65536x256xi32, #tpu.memory_space<hbm>> -> memref<128x256xi32, #tpu.memory_space<hbm>>
          %dma_start3A_274 = tpu.memref_slice %run_scoped3A_9[%rem3A_265] : memref<2x!tpu.dma_semaphore, #tpu.memory_space<semaphore_mem>> -> memref<1x!tpu.dma_semaphore, #tpu.memory_space<semaphore_mem>>
          %dma_start3A_275 = tpu.memref_squeeze %dma_start3A_274 : memref<1x!tpu.dma_semaphore, #tpu.memory_space<semaphore_mem>> -> memref<!tpu.dma_semaphore, #tpu.memory_space<semaphore_mem>>
          %dma_start3A_276 = arith.constant 0 : i32
          %dma_start3A_277 = tpu.memref_slice %arg4[%mul3A_267, %dma_start3A_276] : memref<65536x256xi32, #tpu.memory_space<hbm>> -> memref<128x256xi32, #tpu.memory_space<hbm>>
          %dma_start3A_278 = arith.constant 0 : i32
          %dma_start3A_279 = arith.constant 0 : i32
          %dma_start3A_280 = tpu.memref_slice %run_scoped3A_8[%rem3A_265, %dma_start3A_278, %dma_start3A_279] : memref<2x128x256xi32, #tpu.memory_space<vmem>> -> memref<1x128x256xi32, #tpu.memory_space<vmem>>
          %dma_start3A_281 = tpu.memref_squeeze %dma_start3A_280 : memref<1x128x256xi32, #tpu.memory_space<vmem>> -> memref<128x256xi32, #tpu.memory_space<vmem>>
          tpu.enqueue_dma source(%dma_start3A_281 : memref<128x256xi32, #tpu.memory_space<vmem>>) target(%dma_start3A_277 : memref<128x256xi32, #tpu.memory_space<hbm>>) target_semaphore(%dma_start3A_275 : memref<!tpu.dma_semaphore, #tpu.memory_space<semaphore_mem>>)
          "tpu.trace_stop"() : () -> ()
        } else {
        }
        %and3A_217 = arith.constant true
        %and3A_218 = arith.andi %or3A_213, %and3A_217 : i1
        %add3A_219 = arith.constant 1 : i32
        %add3A_220 = arith.addi %scan3A_124, %add3A_219 : i32
        %select_n3A_221 = arith.select %and3A_218, %add3A_220, %scan3A_124 : i32
        %ne3A_222 = arith.cmpi ne, %add3A_131, %add3A_140 : i32
        %or3A_223 = arith.constant false
        %or3A_224 = arith.ori %or3A_223, %ne3A_222 : i1
        %not3A_225 = arith.constant true
        %not3A_226 = arith.xori %eq3A_128, %not3A_225 : i1
        %and3A_227 = arith.andi %or3A_224, %not3A_226 : i1
        %convert_element_type3A_228 = arith.extui %and3A_227 : i1 to i32
        %cond3A_229 = arith.constant 0 : i32
        %cond3A_230 = arith.cmpi ne, %convert_element_type3A_228, %cond3A_229 : i32
        scf.if %cond3A_230 {
        } else {
        }
        %and3A_231 = arith.constant false
        %and3A_232 = arith.andi %and3A_227, %and3A_231 : i1
        %ne3A_233 = arith.cmpi ne, %add3A_131, %add3A_140 : i32
        %or3A_234 = arith.constant false
        %or3A_235 = arith.ori %or3A_234, %ne3A_233 : i1
        %or3A_236 = arith.constant false
        %or3A_237 = arith.ori %or3A_235, %or3A_236 : i1
        %not3A_238 = arith.constant true
        %not3A_239 = arith.xori %eq3A_128, %not3A_238 : i1
        %and3A_240 = arith.andi %or3A_237, %not3A_239 : i1
        %convert_element_type3A_241 = arith.extui %and3A_240 : i1 to i32
        %cond3A_242 = arith.constant 0 : i32
        %cond3A_243 = arith.cmpi ne, %convert_element_type3A_241, %cond3A_242 : i32
        scf.if %cond3A_243 {
          "tpu.trace_start"() <{level = 10 : i32, message = "ep_wait_out"}> : () -> ()
          %rem3A_264 = arith.constant 2 : i32
          %rem3A_265 = arith.remui %scan3A_125, %rem3A_264 : i32
          %mul3A_266 = arith.constant 128 : i32
          %mul3A_267 = arith.muli %mul3A_266, %add3A_140 : i32
          %dma_wait3A_268 = arith.constant 0 : i32
          %dma_wait3A_269 = arith.constant 0 : i32
          %dma_wait3A_270 = tpu.memref_slice %run_scoped3A_8[%rem3A_265, %dma_wait3A_268, %dma_wait3A_269] : memref<2x128x256xi32, #tpu.memory_space<vmem>> -> memref<1x128x256xi32, #tpu.memory_space<vmem>>
          %dma_wait3A_271 = tpu.memref_squeeze %dma_wait3A_270 : memref<1x128x256xi32, #tpu.memory_space<vmem>> -> memref<128x256xi32, #tpu.memory_space<vmem>>
          %dma_wait3A_272 = arith.constant 0 : i32
          %dma_wait3A_273 = tpu.memref_slice %arg4[%mul3A_267, %dma_wait3A_272] : memref<65536x256xi32, #tpu.memory_space<hbm>> -> memref<128x256xi32, #tpu.memory_space<hbm>>
          %dma_wait3A_274 = tpu.memref_slice %run_scoped3A_9[%rem3A_265] : memref<2x!tpu.dma_semaphore, #tpu.memory_space<semaphore_mem>> -> memref<1x!tpu.dma_semaphore, #tpu.memory_space<semaphore_mem>>
          %dma_wait3A_275 = tpu.memref_squeeze %dma_wait3A_274 : memref<1x!tpu.dma_semaphore, #tpu.memory_space<semaphore_mem>> -> memref<!tpu.dma_semaphore, #tpu.memory_space<semaphore_mem>>
          %dma_wait3A_276 = arith.constant 0 : i32
          %dma_wait3A_277 = tpu.memref_slice %arg4[%mul3A_267, %dma_wait3A_276] : memref<65536x256xi32, #tpu.memory_space<hbm>> -> memref<128x256xi32, #tpu.memory_space<hbm>>
          %dma_wait3A_278 = arith.constant 0 : i32
          %dma_wait3A_279 = arith.constant 0 : i32
          %dma_wait3A_280 = tpu.memref_slice %run_scoped3A_8[%rem3A_265, %dma_wait3A_278, %dma_wait3A_279] : memref<2x128x256xi32, #tpu.memory_space<vmem>> -> memref<1x128x256xi32, #tpu.memory_space<vmem>>
          %dma_wait3A_281 = tpu.memref_squeeze %dma_wait3A_280 : memref<1x128x256xi32, #tpu.memory_space<vmem>> -> memref<128x256xi32, #tpu.memory_space<vmem>>
          tpu.wait_dma2 semaphore(%dma_wait3A_275 : memref<!tpu.dma_semaphore, #tpu.memory_space<semaphore_mem>>) src(%dma_wait3A_281 : memref<128x256xi32, #tpu.memory_space<vmem>>) dst(%dma_wait3A_277 : memref<128x256xi32, #tpu.memory_space<hbm>>)
          "tpu.trace_stop"() : () -> ()
        } else {
        }
        %and3A_244 = arith.constant true
        %and3A_245 = arith.andi %and3A_240, %and3A_244 : i1
        %add3A_246 = arith.constant 1 : i32
        %add3A_247 = arith.addi %scan3A_125, %add3A_246 : i32
        %select_n3A_248 = arith.select %and3A_245, %add3A_247, %scan3A_125 : i32
        %ne3A_249 = arith.cmpi ne, %add3A_131, %add3A_149 : i32
        %or3A_250 = arith.constant false
        %or3A_251 = arith.ori %or3A_250, %ne3A_249 : i1
        %or3A_252 = arith.ori %or3A_251, %eq3A_130 : i1
        %add3A_253 = arith.constant 1 : i32
        %add3A_254 = arith.addi %scan3A_123, %add3A_253 : i32
        %select_n3A_255 = arith.select %or3A_252, %add3A_254, %scan3A_123 : i32
        %add3A_256 = arith.constant 1 : i32
        %add3A_257 = arith.addi %scan3A_126, %add3A_256 : i32
        %select_n3A_258 = arith.constant true
        %select_n3A_259 = arith.select %select_n3A_258, %add3A_257, %scan3A_126 : i32
        %eq3A_260 = arith.constant 16 : i32
        %eq3A_261 = arith.cmpi eq, %select_n3A_259, %eq3A_260 : i32
        %select_n3A_262 = arith.constant 0 : i32
        %select_n3A_263 = arith.select %eq3A_261, %select_n3A_262, %select_n3A_259 : i32
        scf.yield %select_n3A_167, %select_n3A_255, %select_n3A_221, %select_n3A_248, %select_n3A_263 : i32, i32, i32, i32, i32
      }
      %scan3A_68 = arith.constant 16 : i32
      %sub3A = arith.constant 1 : i32
      %sub3A_69 = arith.subi %scan3A_67#4, %sub3A : i32
      %select_n3A_70 = arith.constant true
      %select_n3A_71 = arith.select %select_n3A_70, %sub3A_69, %scan3A_67#4 : i32
      %eq3A_72 = arith.constant -1 : i32
      %eq3A_73 = arith.cmpi eq, %select_n3A_71, %eq3A_72 : i32
      %select_n3A_74 = arith.constant 15 : i32
      %select_n3A_75 = arith.select %eq3A_73, %select_n3A_74, %select_n3A_71 : i32
      %add3A_76 = arith.addi %select_n3A_75, %mul3A_6 : i32
      %sub3A_77 = arith.constant 1 : i32
      %sub3A_78 = arith.subi %select_n3A_75, %sub3A_77 : i32
      %select_n3A_79 = arith.constant true
      %select_n3A_80 = arith.select %select_n3A_79, %sub3A_78, %select_n3A_75 : i32
      %eq3A_81 = arith.constant -1 : i32
      %eq3A_82 = arith.cmpi eq, %select_n3A_80, %eq3A_81 : i32
      %select_n3A_83 = arith.constant 15 : i32
      %select_n3A_84 = arith.select %eq3A_82, %select_n3A_83, %select_n3A_80 : i32
      %add3A_85 = arith.addi %select_n3A_84, %mul3A_6 : i32
      %add3A_86 = arith.constant 1 : i32
      %add3A_87 = arith.addi %select_n3A_75, %add3A_86 : i32
      %select_n3A_88 = arith.constant true
      %select_n3A_89 = arith.select %select_n3A_88, %add3A_87, %select_n3A_75 : i32
      %eq3A_90 = arith.constant 16 : i32
      %eq3A_91 = arith.cmpi eq, %select_n3A_89, %eq3A_90 : i32
      %select_n3A_92 = arith.constant 0 : i32
      %select_n3A_93 = arith.select %eq3A_91, %select_n3A_92, %select_n3A_89 : i32
      %add3A_94 = arith.addi %select_n3A_93, %mul3A_6 : i32
      %add3A_95 = arith.constant 1 : i32
      %add3A_96 = arith.addi %select_n3A_93, %add3A_95 : i32
      %select_n3A_97 = arith.constant true
      %select_n3A_98 = arith.select %select_n3A_97, %add3A_96, %select_n3A_93 : i32
      %eq3A_99 = arith.constant 16 : i32
      %eq3A_100 = arith.cmpi eq, %select_n3A_98, %eq3A_99 : i32
      %select_n3A_101 = arith.constant 0 : i32
      %select_n3A_102 = arith.select %eq3A_100, %select_n3A_101, %select_n3A_98 : i32
      %add3A_103 = arith.addi %select_n3A_102, %mul3A_6 : i32
      "tpu.trace_start"() <{level = 10 : i32, message = "ep_finalize"}> : () -> ()
      %rem3A_104 = arith.constant 2 : i32
      %rem3A_105 = arith.remui %scan3A_67#3, %rem3A_104 : i32
      %mul3A_106 = arith.constant 128 : i32
      %mul3A_107 = arith.muli %mul3A_106, %add3A_76 : i32
      %dma_wait3A = arith.constant 0 : i32
      %dma_wait3A_108 = arith.constant 0 : i32
      %dma_wait3A_109 = tpu.memref_slice %run_scoped3A_8[%rem3A_105, %dma_wait3A, %dma_wait3A_108] : memref<2x128x256xi32, #tpu.memory_space<vmem>> -> memref<1x128x256xi32, #tpu.memory_space<vmem>>
      %dma_wait3A_110 = tpu.memref_squeeze %dma_wait3A_109 : memref<1x128x256xi32, #tpu.memory_space<vmem>> -> memref<128x256xi32, #tpu.memory_space<vmem>>
      %dma_wait3A_111 = arith.constant 0 : i32
      %dma_wait3A_112 = tpu.memref_slice %arg4[%mul3A_107, %dma_wait3A_111] : memref<65536x256xi32, #tpu.memory_space<hbm>> -> memref<128x256xi32, #tpu.memory_space<hbm>>
      %dma_wait3A_113 = tpu.memref_slice %run_scoped3A_9[%rem3A_105] : memref<2x!tpu.dma_semaphore, #tpu.memory_space<semaphore_mem>> -> memref<1x!tpu.dma_semaphore, #tpu.memory_space<semaphore_mem>>
      %dma_wait3A_114 = tpu.memref_squeeze %dma_wait3A_113 : memref<1x!tpu.dma_semaphore, #tpu.memory_space<semaphore_mem>> -> memref<!tpu.dma_semaphore, #tpu.memory_space<semaphore_mem>>
      %dma_wait3A_115 = arith.constant 0 : i32
      %dma_wait3A_116 = tpu.memref_slice %arg4[%mul3A_107, %dma_wait3A_115] : memref<65536x256xi32, #tpu.memory_space<hbm>> -> memref<128x256xi32, #tpu.memory_space<hbm>>
      %dma_wait3A_117 = arith.constant 0 : i32
      %dma_wait3A_118 = arith.constant 0 : i32
      %dma_wait3A_119 = tpu.memref_slice %run_scoped3A_8[%rem3A_105, %dma_wait3A_117, %dma_wait3A_118] : memref<2x128x256xi32, #tpu.memory_space<vmem>> -> memref<1x128x256xi32, #tpu.memory_space<vmem>>
      %dma_wait3A_120 = tpu.memref_squeeze %dma_wait3A_119 : memref<1x128x256xi32, #tpu.memory_space<vmem>> -> memref<128x256xi32, #tpu.memory_space<vmem>>
      tpu.wait_dma2 semaphore(%dma_wait3A_114 : memref<!tpu.dma_semaphore, #tpu.memory_space<semaphore_mem>>) src(%dma_wait3A_120 : memref<128x256xi32, #tpu.memory_space<vmem>>) dst(%dma_wait3A_116 : memref<128x256xi32, #tpu.memory_space<hbm>>)
      "tpu.trace_stop"() : () -> ()
      tpu.yield
    }) : () -> ()
    return
  }
}

#map = affine_map<(d0, d1) -> (0, 0)>
module attributes {stable_mosaic.version = 14 : i64} {
  func.func @gather_kernel(%arg0: i32, %arg1: i32, %arg2: memref<4096x256xi32, #tpu.memory_space<hbm>>, %arg3: memref<1x65536xi32, #tpu.memory_space<hbm>>, %arg4: memref<65536x256xi32, #tpu.memory_space<hbm>>) attributes {dimension_semantics = [#tpu.dimension_semantics<core_parallel>, #tpu.dimension_semantics<subcore_parallel>], iteration_bounds = array<i64: 2, 16>, scalar_prefetch = 0 : i64, scratch_operands = 0 : i64, tpu.core_type = #tpu.core_type<sc_vector_subcore>, window_params = [{transform_indices = #map}, {transform_indices = #map}, {transform_indices = #map}]} {
    %mul3A = arith.constant 1 : i32
    %mul3A_0 = arith.muli %arg1, %mul3A : i32
    %add3A = arith.constant 0 : i32
    %add3A_1 = arith.addi %add3A, %mul3A_0 : i32
    %mul3A_2 = arith.constant 16 : i32
    %mul3A_3 = arith.muli %arg0, %mul3A_2 : i32
    %add3A_4 = arith.addi %add3A_1, %mul3A_3 : i32
    %mul3A_5 = arith.constant 16 : i32
    %mul3A_6 = arith.muli %add3A_4, %mul3A_5 : i32
    "tpu.region"() ({
      %run_scoped3A = memref.alloca() : memref<2x1x128xi32, #tpu.memory_space<vmem>>
      %run_scoped3A_7 = tpu.sem_alloc : memref<2x!tpu.dma_semaphore, #tpu.memory_space<semaphore_mem>>
      %run_scoped3A_8 = memref.alloca() : memref<2x128x256xi32, #tpu.memory_space<vmem>>
      %run_scoped3A_9 = tpu.sem_alloc : memref<2x!tpu.dma_semaphore, #tpu.memory_space<semaphore_mem>>
      %add3A_10 = arith.constant 0 : i32
      %add3A_11 = arith.addi %add3A_10, %mul3A_6 : i32
      %select_n3A = arith.constant true
      %select_n3A_12 = arith.constant 0 : i32
      %select_n3A_13 = arith.constant -1 : i32
      %select_n3A_14 = arith.select %select_n3A, %select_n3A_13, %select_n3A_12 : i32
      %eq3A = arith.constant -1 : i32
      %eq3A_15 = arith.cmpi eq, %select_n3A_14, %eq3A : i32
      %select_n3A_16 = arith.constant 15 : i32
      %select_n3A_17 = arith.select %eq3A_15, %select_n3A_16, %select_n3A_14 : i32
      %add3A_18 = arith.addi %select_n3A_17, %mul3A_6 : i32
      %select_n3A_19 = arith.constant true
      %select_n3A_20 = arith.constant 0 : i32
      %select_n3A_21 = arith.constant 1 : i32
      %select_n3A_22 = arith.select %select_n3A_19, %select_n3A_21, %select_n3A_20 : i32
      %eq3A_23 = arith.constant 16 : i32
      %eq3A_24 = arith.cmpi eq, %select_n3A_22, %eq3A_23 : i32
      %select_n3A_25 = arith.constant 0 : i32
      %select_n3A_26 = arith.select %eq3A_24, %select_n3A_25, %select_n3A_22 : i32
      %add3A_27 = arith.addi %select_n3A_26, %mul3A_6 : i32
      %add3A_28 = arith.constant 1 : i32
      %add3A_29 = arith.addi %select_n3A_26, %add3A_28 : i32
      %select_n3A_30 = arith.constant true
      %select_n3A_31 = arith.select %select_n3A_30, %add3A_29, %select_n3A_26 : i32
      %eq3A_32 = arith.constant 16 : i32
      %eq3A_33 = arith.cmpi eq, %select_n3A_31, %eq3A_32 : i32
      %select_n3A_34 = arith.constant 0 : i32
      %select_n3A_35 = arith.select %eq3A_33, %select_n3A_34, %select_n3A_31 : i32
      %add3A_36 = arith.addi %select_n3A_35, %mul3A_6 : i32
      "tpu.trace_start"() <{level = 10 : i32, message = "ep_initialize_0"}> : () -> ()
      %rem3A = arith.constant 0 : i32
      %rem3A_37 = arith.constant 2 : i32
      %rem3A_38 = arith.remui %rem3A, %rem3A_37 : i32
      %mul3A_39 = arith.constant 128 : i32
      %mul3A_40 = arith.muli %mul3A_39, %add3A_11 : i32
      %dma_start3A = arith.constant 0 : i32
      %dma_start3A_41 = arith.constant 0 : i32
      %dma_start3A_42 = tpu.memref_slice %run_scoped3A[%rem3A_38, %dma_start3A, %dma_start3A_41] : memref<2x1x128xi32, #tpu.memory_space<vmem>> -> memref<1x1x128xi32, #tpu.memory_space<vmem>>
      %dma_start3A_43 = tpu.memref_squeeze %dma_start3A_42 : memref<1x1x128xi32, #tpu.memory_space<vmem>> -> memref<1x128xi32, #tpu.memory_space<vmem>>
      %dma_start3A_44 = arith.constant 0 : i32
      %dma_start3A_45 = tpu.memref_slice %arg3[%dma_start3A_44, %mul3A_40] : memref<1x65536xi32, #tpu.memory_space<hbm>> -> memref<1x128xi32, #tpu.memory_space<hbm>>
      %dma_start3A_46 = tpu.memref_slice %run_scoped3A_7[%rem3A_38] : memref<2x!tpu.dma_semaphore, #tpu.memory_space<semaphore_mem>> -> memref<1x!tpu.dma_semaphore, #tpu.memory_space<semaphore_mem>>
      %dma_start3A_47 = tpu.memref_squeeze %dma_start3A_46 : memref<1x!tpu.dma_semaphore, #tpu.memory_space<semaphore_mem>> -> memref<!tpu.dma_semaphore, #tpu.memory_space<semaphore_mem>>
      %dma_start3A_48 = arith.constant 0 : i32
      %dma_start3A_49 = arith.constant 0 : i32
      %dma_start3A_50 = tpu.memref_slice %run_scoped3A[%rem3A_38, %dma_start3A_48, %dma_start3A_49] : memref<2x1x128xi32, #tpu.memory_space<vmem>> -> memref<1x1x128xi32, #tpu.memory_space<vmem>>
      %dma_start3A_51 = tpu.memref_squeeze %dma_start3A_50 : memref<1x1x128xi32, #tpu.memory_space<vmem>> -> memref<1x128xi32, #tpu.memory_space<vmem>>
      %dma_start3A_52 = arith.constant 0 : i32
      %dma_start3A_53 = tpu.memref_slice %arg3[%dma_start3A_52, %mul3A_40] : memref<1x65536xi32, #tpu.memory_space<hbm>> -> memref<1x128xi32, #tpu.memory_space<hbm>>
      tpu.enqueue_dma source(%dma_start3A_53 : memref<1x128xi32, #tpu.memory_space<hbm>>) target(%dma_start3A_51 : memref<1x128xi32, #tpu.memory_space<vmem>>) target_semaphore(%dma_start3A_47 : memref<!tpu.dma_semaphore, #tpu.memory_space<semaphore_mem>>)
      %add3A_54 = arith.constant 0 : i32
      %add3A_55 = arith.constant 1 : i32
      %add3A_56 = arith.addi %add3A_54, %add3A_55 : i32
      %select_n3A_57 = arith.constant true
      %select_n3A_58 = arith.constant 0 : i32
      %select_n3A_59 = arith.select %select_n3A_57, %add3A_56, %select_n3A_58 : i32
      "tpu.trace_stop"() : () -> ()
      %scan3A = arith.constant 0 : i32
      %scan3A_60 = arith.constant 0 : i32
      %scan3A_61 = arith.constant 0 : i32
      %scan3A_62 = arith.constant 0 : i32
      %scan3A_63 = arith.constant 0 : i32
      %scan3A_64 = arith.constant 16 : i32
      %scan3A_65 = arith.addi %scan3A_63, %scan3A_64 : i32
      %scan3A_66 = arith.constant 1 : i32
      %scan3A_67:5 = scf.for %scan3A_121 = %scan3A_63 to %scan3A_65 step %scan3A_66 iter_args(%scan3A_122 = %select_n3A_59, %scan3A_123 = %scan3A, %scan3A_124 = %scan3A_60, %scan3A_125 = %scan3A_61, %scan3A_126 = %scan3A_62) -> (i32, i32, i32, i32, i32)  : i32 {
        %eq3A_127 = arith.constant 0 : i32
        %eq3A_128 = arith.cmpi eq, %scan3A_121, %eq3A_127 : i32
        %eq3A_129 = arith.constant 15 : i32
        %eq3A_130 = arith.cmpi eq, %scan3A_121, %eq3A_129 : i32
        %add3A_131 = arith.addi %scan3A_126, %mul3A_6 : i32
        %sub3A_132 = arith.constant 1 : i32
        %sub3A_133 = arith.subi %scan3A_126, %sub3A_132 : i32
        %select_n3A_134 = arith.constant true
        %select_n3A_135 = arith.select %select_n3A_134, %sub3A_133, %scan3A_126 : i32
        %eq3A_136 = arith.constant -1 : i32
        %eq3A_137 = arith.cmpi eq, %select_n3A_135, %eq3A_136 : i32
        %select_n3A_138 = arith.constant 15 : i32
        %select_n3A_139 = arith.select %eq3A_137, %select_n3A_138, %select_n3A_135 : i32
        %add3A_140 = arith.addi %select_n3A_139, %mul3A_6 : i32
        %add3A_141 = arith.constant 1 : i32
        %add3A_142 = arith.addi %scan3A_126, %add3A_141 : i32
        %select_n3A_143 = arith.constant true
        %select_n3A_144 = arith.select %select_n3A_143, %add3A_142, %scan3A_126 : i32
        %eq3A_145 = arith.constant 16 : i32
        %eq3A_146 = arith.cmpi eq, %select_n3A_144, %eq3A_145 : i32
        %select_n3A_147 = arith.constant 0 : i32
        %select_n3A_148 = arith.select %eq3A_146, %select_n3A_147, %select_n3A_144 : i32
        %add3A_149 = arith.addi %select_n3A_148, %mul3A_6 : i32
        %add3A_150 = arith.constant 1 : i32
        %add3A_151 = arith.addi %select_n3A_148, %add3A_150 : i32
        %select_n3A_152 = arith.constant true
        %select_n3A_153 = arith.select %select_n3A_152, %add3A_151, %select_n3A_148 : i32
        %eq3A_154 = arith.constant 16 : i32
        %eq3A_155 = arith.cmpi eq, %select_n3A_153, %eq3A_154 : i32
        %select_n3A_156 = arith.constant 0 : i32
        %select_n3A_157 = arith.select %eq3A_155, %select_n3A_156, %select_n3A_153 : i32
        %add3A_158 = arith.addi %select_n3A_157, %mul3A_6 : i32
        %ne3A = arith.cmpi ne, %add3A_131, %add3A_149 : i32
        %or3A = arith.constant false
        %or3A_159 = arith.ori %or3A, %ne3A : i1
        %ge3A = arith.constant 15 : i32
        %ge3A_160 = arith.cmpi sge, %scan3A_121, %ge3A : i32
        %not3A = arith.constant true
        %not3A_161 = arith.xori %ge3A_160, %not3A : i1
        %and3A = arith.andi %or3A_159, %not3A_161 : i1
        %convert_element_type3A = arith.extui %and3A : i1 to i32
        %cond3A = arith.constant 0 : i32
        %cond3A_162 = arith.cmpi ne, %convert_element_type3A, %cond3A : i32
        scf.if %cond3A_162 {
          "tpu.trace_start"() <{level = 10 : i32, message = "ep_copy_in"}> : () -> ()
          %rem3A_264 = arith.constant 2 : i32
          %rem3A_265 = arith.remui %scan3A_122, %rem3A_264 : i32
          %mul3A_266 = arith.constant 128 : i32
          %mul3A_267 = arith.muli %mul3A_266, %add3A_149 : i32
          %dma_start3A_268 = arith.constant 0 : i32
          %dma_start3A_269 = arith.constant 0 : i32
          %dma_start3A_270 = tpu.memref_slice %run_scoped3A[%rem3A_265, %dma_start3A_268, %dma_start3A_269] : memref<2x1x128xi32, #tpu.memory_space<vmem>> -> memref<1x1x128xi32, #tpu.memory_space<vmem>>
          %dma_start3A_271 = tpu.memref_squeeze %dma_start3A_270 : memref<1x1x128xi32, #tpu.memory_space<vmem>> -> memref<1x128xi32, #tpu.memory_space<vmem>>
          %dma_start3A_272 = arith.constant 0 : i32
          %dma_start3A_273 = tpu.memref_slice %arg3[%dma_start3A_272, %mul3A_267] : memref<1x65536xi32, #tpu.memory_space<hbm>> -> memref<1x128xi32, #tpu.memory_space<hbm>>
          %dma_start3A_274 = tpu.memref_slice %run_scoped3A_7[%rem3A_265] : memref<2x!tpu.dma_semaphore, #tpu.memory_space<semaphore_mem>> -> memref<1x!tpu.dma_semaphore, #tpu.memory_space<semaphore_mem>>
          %dma_start3A_275 = tpu.memref_squeeze %dma_start3A_274 : memref<1x!tpu.dma_semaphore, #tpu.memory_space<semaphore_mem>> -> memref<!tpu.dma_semaphore, #tpu.memory_space<semaphore_mem>>
          %dma_start3A_276 = arith.constant 0 : i32
          %dma_start3A_277 = arith.constant 0 : i32
          %dma_start3A_278 = tpu.memref_slice %run_scoped3A[%rem3A_265, %dma_start3A_276, %dma_start3A_277] : memref<2x1x128xi32, #tpu.memory_space<vmem>> -> memref<1x1x128xi32, #tpu.memory_space<vmem>>
          %dma_start3A_279 = tpu.memref_squeeze %dma_start3A_278 : memref<1x1x128xi32, #tpu.memory_space<vmem>> -> memref<1x128xi32, #tpu.memory_space<vmem>>
          %dma_start3A_280 = arith.constant 0 : i32
          %dma_start3A_281 = tpu.memref_slice %arg3[%dma_start3A_280, %mul3A_267] : memref<1x65536xi32, #tpu.memory_space<hbm>> -> memref<1x128xi32, #tpu.memory_space<hbm>>
          tpu.enqueue_dma source(%dma_start3A_281 : memref<1x128xi32, #tpu.memory_space<hbm>>) target(%dma_start3A_279 : memref<1x128xi32, #tpu.memory_space<vmem>>) target_semaphore(%dma_start3A_275 : memref<!tpu.dma_semaphore, #tpu.memory_space<semaphore_mem>>)
          "tpu.trace_stop"() : () -> ()
        } else {
        }
        %and3A_163 = arith.constant true
        %and3A_164 = arith.andi %and3A, %and3A_163 : i1
        %add3A_165 = arith.constant 1 : i32
        %add3A_166 = arith.addi %scan3A_122, %add3A_165 : i32
        %select_n3A_167 = arith.select %and3A_164, %add3A_166, %scan3A_122 : i32
        %ne3A_168 = arith.cmpi ne, %add3A_131, %add3A_149 : i32
        %or3A_169 = arith.constant false
        %or3A_170 = arith.ori %or3A_169, %ne3A_168 : i1
        %or3A_171 = arith.constant false
        %or3A_172 = arith.ori %or3A_170, %or3A_171 : i1
        %ge3A_173 = arith.constant 15 : i32
        %ge3A_174 = arith.cmpi sge, %scan3A_121, %ge3A_173 : i32
        %not3A_175 = arith.constant true
        %not3A_176 = arith.xori %ge3A_174, %not3A_175 : i1
        %and3A_177 = arith.andi %or3A_172, %not3A_176 : i1
        %ne3A_178 = arith.cmpi ne, %add3A_131, %add3A_140 : i32
        %or3A_179 = arith.constant false
        %or3A_180 = arith.ori %or3A_179, %ne3A_178 : i1
        %or3A_181 = arith.ori %or3A_180, %eq3A_128 : i1
        %convert_element_type3A_182 = arith.extui %or3A_181 : i1 to i32
        %cond3A_183 = arith.constant 0 : i32
        %cond3A_184 = arith.cmpi ne, %convert_element_type3A_182, %cond3A_183 : i32
        scf.if %cond3A_184 {
          "tpu.trace_start"() <{level = 10 : i32, message = "ep_wait_in"}> : () -> ()
          %mul3A_264 = arith.constant 128 : i32
          %mul3A_265 = arith.muli %mul3A_264, %add3A_131 : i32
          %rem3A_266 = arith.constant 2 : i32
          %rem3A_267 = arith.remui %scan3A_123, %rem3A_266 : i32
          %dma_wait3A_268 = arith.constant 0 : i32
          %dma_wait3A_269 = arith.constant 0 : i32
          %dma_wait3A_270 = tpu.memref_slice %run_scoped3A[%rem3A_267, %dma_wait3A_268, %dma_wait3A_269] : memref<2x1x128xi32, #tpu.memory_space<vmem>> -> memref<1x1x128xi32, #tpu.memory_space<vmem>>
          %dma_wait3A_271 = tpu.memref_squeeze %dma_wait3A_270 : memref<1x1x128xi32, #tpu.memory_space<vmem>> -> memref<1x128xi32, #tpu.memory_space<vmem>>
          %dma_wait3A_272 = arith.constant 0 : i32
          %dma_wait3A_273 = tpu.memref_slice %arg3[%dma_wait3A_272, %mul3A_265] : memref<1x65536xi32, #tpu.memory_space<hbm>> -> memref<1x128xi32, #tpu.memory_space<hbm>>
          %dma_wait3A_274 = tpu.memref_slice %run_scoped3A_7[%rem3A_267] : memref<2x!tpu.dma_semaphore, #tpu.memory_space<semaphore_mem>> -> memref<1x!tpu.dma_semaphore, #tpu.memory_space<semaphore_mem>>
          %dma_wait3A_275 = tpu.memref_squeeze %dma_wait3A_274 : memref<1x!tpu.dma_semaphore, #tpu.memory_space<semaphore_mem>> -> memref<!tpu.dma_semaphore, #tpu.memory_space<semaphore_mem>>
          %dma_wait3A_276 = arith.constant 0 : i32
          %dma_wait3A_277 = arith.constant 0 : i32
          %dma_wait3A_278 = tpu.memref_slice %run_scoped3A[%rem3A_267, %dma_wait3A_276, %dma_wait3A_277] : memref<2x1x128xi32, #tpu.memory_space<vmem>> -> memref<1x1x128xi32, #tpu.memory_space<vmem>>
          %dma_wait3A_279 = tpu.memref_squeeze %dma_wait3A_278 : memref<1x1x128xi32, #tpu.memory_space<vmem>> -> memref<1x128xi32, #tpu.memory_space<vmem>>
          %dma_wait3A_280 = arith.constant 0 : i32
          %dma_wait3A_281 = tpu.memref_slice %arg3[%dma_wait3A_280, %mul3A_265] : memref<1x65536xi32, #tpu.memory_space<hbm>> -> memref<1x128xi32, #tpu.memory_space<hbm>>
          tpu.wait_dma2 semaphore(%dma_wait3A_275 : memref<!tpu.dma_semaphore, #tpu.memory_space<semaphore_mem>>) src(%dma_wait3A_281 : memref<1x128xi32, #tpu.memory_space<hbm>>) dst(%dma_wait3A_279 : memref<1x128xi32, #tpu.memory_space<vmem>>)
          "tpu.trace_stop"() : () -> ()
        } else {
        }
        %ne3A_185 = arith.cmpi ne, %add3A_131, %add3A_140 : i32
        %or3A_186 = arith.constant false
        %or3A_187 = arith.ori %or3A_186, %ne3A_185 : i1
        %or3A_188 = arith.constant false
        %or3A_189 = arith.ori %or3A_187, %or3A_188 : i1
        %or3A_190 = arith.ori %or3A_189, %eq3A_128 : i1
        %convert_element_type3A_191 = arith.extui %or3A_190 : i1 to i32
        %cond3A_192 = arith.constant 0 : i32
        %cond3A_193 = arith.cmpi ne, %convert_element_type3A_191, %cond3A_192 : i32
        scf.if %cond3A_193 {
        } else {
        }
        %rem3A_194 = arith.constant 2 : i32
        %rem3A_195 = arith.remui %scan3A_123, %rem3A_194 : i32
        %rem3A_196 = arith.constant 2 : i32
        %rem3A_197 = arith.remui %scan3A_124, %rem3A_196 : i32
        %run_scoped3A_198 = arith.constant 0 : i32
        "tpu.trace_start"() <{level = 10 : i32, message = "ep_run_kernel"}> : () -> ()
        "tpu.region"() ({
          %run_scoped3A_264 = tpu.sem_alloc : memref<!tpu.dma_semaphore, #tpu.memory_space<semaphore_mem>>
          %dma_start3A_265 = arith.constant 0 : i32
          %dma_start3A_266 = arith.constant 0 : i32
          %dma_start3A_267 = tpu.memref_slice %run_scoped3A_8[%rem3A_197, %dma_start3A_265, %dma_start3A_266] : memref<2x128x256xi32, #tpu.memory_space<vmem>> -> memref<1x128x256xi32, #tpu.memory_space<vmem>>
          %dma_start3A_268 = tpu.memref_squeeze %dma_start3A_267 : memref<1x128x256xi32, #tpu.memory_space<vmem>> -> memref<128x256xi32, #tpu.memory_space<vmem>>
          %dma_start3A_269 = arith.constant 0 : i32
          %dma_start3A_270 = arith.constant 0 : i32
          %dma_start3A_271 = tpu.memref_slice %run_scoped3A[%rem3A_195, %dma_start3A_269, %dma_start3A_270] : memref<2x1x128xi32, #tpu.memory_space<vmem>> -> memref<1x1x128xi32, #tpu.memory_space<vmem>>
          %dma_start3A_272 = tpu.memref_squeeze %dma_start3A_271 : memref<1x1x128xi32, #tpu.memory_space<vmem>> -> memref<1x128xi32, #tpu.memory_space<vmem>>
          %dma_start3A_273 = arith.constant 0 : i32
          %dma_start3A_274 = tpu.memref_slice %dma_start3A_272[%run_scoped3A_198, %dma_start3A_273] : memref<1x128xi32, #tpu.memory_space<vmem>> -> memref<1x128xi32, #tpu.memory_space<vmem>>
          %dma_start3A_275 = tpu.memref_squeeze %dma_start3A_274 : memref<1x128xi32, #tpu.memory_space<vmem>> -> memref<128xi32, #tpu.memory_space<vmem>>
          %dma_start3A_276 = arith.constant 0 : i32
          %dma_start3A_277 = arith.constant 0 : i32
          %dma_start3A_278 = tpu.memref_slice %arg2[%dma_start3A_276, %dma_start3A_277] : memref<4096x256xi32, #tpu.memory_space<hbm>> -> memref<4096x256xi32, #tpu.memory_space<hbm>>
          tpu.enqueue_indirect_dma source(%dma_start3A_278 : memref<4096x256xi32, #tpu.memory_space<hbm>>) target(%dma_start3A_268 : memref<128x256xi32, #tpu.memory_space<vmem>>) offsets(%dma_start3A_275 : memref<128xi32, #tpu.memory_space<vmem>>) semaphore(%run_scoped3A_264 : memref<!tpu.dma_semaphore, #tpu.memory_space<semaphore_mem>>)
          %dma_wait3A_279 = arith.constant 0 : i32
          %dma_wait3A_280 = arith.constant 0 : i32
          %dma_wait3A_281 = tpu.memref_slice %run_scoped3A_8[%rem3A_197, %dma_wait3A_279, %dma_wait3A_280] : memref<2x128x256xi32, #tpu.memory_space<vmem>> -> memref<1x128x256xi32, #tpu.memory_space<vmem>>
          %dma_wait3A_282 = tpu.memref_squeeze %dma_wait3A_281 : memref<1x128x256xi32, #tpu.memory_space<vmem>> -> memref<128x256xi32, #tpu.memory_space<vmem>>
          %dma_wait3A_283 = arith.constant 0 : i32
          %dma_wait3A_284 = arith.constant 0 : i32
          %dma_wait3A_285 = tpu.memref_slice %run_scoped3A[%rem3A_195, %dma_wait3A_283, %dma_wait3A_284] : memref<2x1x128xi32, #tpu.memory_space<vmem>> -> memref<1x1x128xi32, #tpu.memory_space<vmem>>
          %dma_wait3A_286 = tpu.memref_squeeze %dma_wait3A_285 : memref<1x1x128xi32, #tpu.memory_space<vmem>> -> memref<1x128xi32, #tpu.memory_space<vmem>>
          %dma_wait3A_287 = arith.constant 0 : i32
          %dma_wait3A_288 = tpu.memref_slice %dma_wait3A_286[%run_scoped3A_198, %dma_wait3A_287] : memref<1x128xi32, #tpu.memory_space<vmem>> -> memref<1x128xi32, #tpu.memory_space<vmem>>
          %dma_wait3A_289 = tpu.memref_squeeze %dma_wait3A_288 : memref<1x128xi32, #tpu.memory_space<vmem>> -> memref<128xi32, #tpu.memory_space<vmem>>
          %dma_wait3A_290 = arith.constant 0 : i32
          %dma_wait3A_291 = arith.constant 0 : i32
          %dma_wait3A_292 = tpu.memref_slice %arg2[%dma_wait3A_290, %dma_wait3A_291] : memref<4096x256xi32, #tpu.memory_space<hbm>> -> memref<4096x256xi32, #tpu.memory_space<hbm>>
          tpu.wait_indirect_dma semaphore(%run_scoped3A_264 : memref<!tpu.dma_semaphore, #tpu.memory_space<semaphore_mem>>) src(%dma_wait3A_292 : memref<4096x256xi32, #tpu.memory_space<hbm>>) dst(%dma_wait3A_282 : memref<128x256xi32, #tpu.memory_space<vmem>>)
          tpu.yield
        }) : () -> ()
        "tpu.trace_stop"() : () -> ()
        %ne3A_199 = arith.cmpi ne, %add3A_131, %add3A_149 : i32
        %or3A_200 = arith.constant false
        %or3A_201 = arith.ori %or3A_200, %ne3A_199 : i1
        %or3A_202 = arith.ori %or3A_201, %eq3A_130 : i1
        %convert_element_type3A_203 = arith.extui %or3A_202 : i1 to i32
        %cond3A_204 = arith.constant 0 : i32
        %cond3A_205 = arith.cmpi ne, %convert_element_type3A_203, %cond3A_204 : i32
        scf.if %cond3A_205 {
        } else {
        }
        %and3A_206 = arith.constant false
        %and3A_207 = arith.andi %or3A_202, %and3A_206 : i1
        %ne3A_208 = arith.cmpi ne, %add3A_131, %add3A_149 : i32
        %or3A_209 = arith.constant false
        %or3A_210 = arith.ori %or3A_209, %ne3A_208 : i1
        %or3A_211 = arith.constant false
        %or3A_212 = arith.ori %or3A_210, %or3A_211 : i1
        %or3A_213 = arith.ori %or3A_212, %eq3A_130 : i1
        %convert_element_type3A_214 = arith.extui %or3A_213 : i1 to i32
        %cond3A_215 = arith.constant 0 : i32
        %cond3A_216 = arith.cmpi ne, %convert_element_type3A_214, %cond3A_215 : i32
        scf.if %cond3A_216 {
          "tpu.trace_start"() <{level = 10 : i32, message = "ep_copy_out"}> : () -> ()
          %rem3A_264 = arith.constant 2 : i32
          %rem3A_265 = arith.remui %scan3A_124, %rem3A_264 : i32
          %mul3A_266 = arith.constant 128 : i32
          %mul3A_267 = arith.muli %mul3A_266, %add3A_131 : i32
          %dma_start3A_268 = arith.constant 0 : i32
          %dma_start3A_269 = arith.constant 0 : i32
          %dma_start3A_270 = tpu.memref_slice %run_scoped3A_8[%rem3A_265, %dma_start3A_268, %dma_start3A_269] : memref<2x128x256xi32, #tpu.memory_space<vmem>> -> memref<1x128x256xi32, #tpu.memory_space<vmem>>
          %dma_start3A_271 = tpu.memref_squeeze %dma_start3A_270 : memref<1x128x256xi32, #tpu.memory_space<vmem>> -> memref<128x256xi32, #tpu.memory_space<vmem>>
          %dma_start3A_272 = arith.constant 0 : i32
          %dma_start3A_273 = tpu.memref_slice %arg4[%mul3A_267, %dma_start3A_272] : memref<65536x256xi32, #tpu.memory_space<hbm>> -> memref<128x256xi32, #tpu.memory_space<hbm>>
          %dma_start3A_274 = tpu.memref_slice %run_scoped3A_9[%rem3A_265] : memref<2x!tpu.dma_semaphore, #tpu.memory_space<semaphore_mem>> -> memref<1x!tpu.dma_semaphore, #tpu.memory_space<semaphore_mem>>
          %dma_start3A_275 = tpu.memref_squeeze %dma_start3A_274 : memref<1x!tpu.dma_semaphore, #tpu.memory_space<semaphore_mem>> -> memref<!tpu.dma_semaphore, #tpu.memory_space<semaphore_mem>>
          %dma_start3A_276 = arith.constant 0 : i32
          %dma_start3A_277 = tpu.memref_slice %arg4[%mul3A_267, %dma_start3A_276] : memref<65536x256xi32, #tpu.memory_space<hbm>> -> memref<128x256xi32, #tpu.memory_space<hbm>>
          %dma_start3A_278 = arith.constant 0 : i32
          %dma_start3A_279 = arith.constant 0 : i32
          %dma_start3A_280 = tpu.memref_slice %run_scoped3A_8[%rem3A_265, %dma_start3A_278, %dma_start3A_279] : memref<2x128x256xi32, #tpu.memory_space<vmem>> -> memref<1x128x256xi32, #tpu.memory_space<vmem>>
          %dma_start3A_281 = tpu.memref_squeeze %dma_start3A_280 : memref<1x128x256xi32, #tpu.memory_space<vmem>> -> memref<128x256xi32, #tpu.memory_space<vmem>>
          tpu.enqueue_dma source(%dma_start3A_281 : memref<128x256xi32, #tpu.memory_space<vmem>>) target(%dma_start3A_277 : memref<128x256xi32, #tpu.memory_space<hbm>>) target_semaphore(%dma_start3A_275 : memref<!tpu.dma_semaphore, #tpu.memory_space<semaphore_mem>>)
          "tpu.trace_stop"() : () -> ()
        } else {
        }
        %and3A_217 = arith.constant true
        %and3A_218 = arith.andi %or3A_213, %and3A_217 : i1
        %add3A_219 = arith.constant 1 : i32
        %add3A_220 = arith.addi %scan3A_124, %add3A_219 : i32
        %select_n3A_221 = arith.select %and3A_218, %add3A_220, %scan3A_124 : i32
        %ne3A_222 = arith.cmpi ne, %add3A_131, %add3A_140 : i32
        %or3A_223 = arith.constant false
        %or3A_224 = arith.ori %or3A_223, %ne3A_222 : i1
        %not3A_225 = arith.constant true
        %not3A_226 = arith.xori %eq3A_128, %not3A_225 : i1
        %and3A_227 = arith.andi %or3A_224, %not3A_226 : i1
        %convert_element_type3A_228 = arith.extui %and3A_227 : i1 to i32
        %cond3A_229 = arith.constant 0 : i32
        %cond3A_230 = arith.cmpi ne, %convert_element_type3A_228, %cond3A_229 : i32
        scf.if %cond3A_230 {
        } else {
        }
        %and3A_231 = arith.constant false
        %and3A_232 = arith.andi %and3A_227, %and3A_231 : i1
        %ne3A_233 = arith.cmpi ne, %add3A_131, %add3A_140 : i32
        %or3A_234 = arith.constant false
        %or3A_235 = arith.ori %or3A_234, %ne3A_233 : i1
        %or3A_236 = arith.constant false
        %or3A_237 = arith.ori %or3A_235, %or3A_236 : i1
        %not3A_238 = arith.constant true
        %not3A_239 = arith.xori %eq3A_128, %not3A_238 : i1
        %and3A_240 = arith.andi %or3A_237, %not3A_239 : i1
        %convert_element_type3A_241 = arith.extui %and3A_240 : i1 to i32
        %cond3A_242 = arith.constant 0 : i32
        %cond3A_243 = arith.cmpi ne, %convert_element_type3A_241, %cond3A_242 : i32
        scf.if %cond3A_243 {
          "tpu.trace_start"() <{level = 10 : i32, message = "ep_wait_out"}> : () -> ()
          %rem3A_264 = arith.constant 2 : i32
          %rem3A_265 = arith.remui %scan3A_125, %rem3A_264 : i32
          %mul3A_266 = arith.constant 128 : i32
          %mul3A_267 = arith.muli %mul3A_266, %add3A_140 : i32
          %dma_wait3A_268 = arith.constant 0 : i32
          %dma_wait3A_269 = arith.constant 0 : i32
          %dma_wait3A_270 = tpu.memref_slice %run_scoped3A_8[%rem3A_265, %dma_wait3A_268, %dma_wait3A_269] : memref<2x128x256xi32, #tpu.memory_space<vmem>> -> memref<1x128x256xi32, #tpu.memory_space<vmem>>
          %dma_wait3A_271 = tpu.memref_squeeze %dma_wait3A_270 : memref<1x128x256xi32, #tpu.memory_space<vmem>> -> memref<128x256xi32, #tpu.memory_space<vmem>>
          %dma_wait3A_272 = arith.constant 0 : i32
          %dma_wait3A_273 = tpu.memref_slice %arg4[%mul3A_267, %dma_wait3A_272] : memref<65536x256xi32, #tpu.memory_space<hbm>> -> memref<128x256xi32, #tpu.memory_space<hbm>>
          %dma_wait3A_274 = tpu.memref_slice %run_scoped3A_9[%rem3A_265] : memref<2x!tpu.dma_semaphore, #tpu.memory_space<semaphore_mem>> -> memref<1x!tpu.dma_semaphore, #tpu.memory_space<semaphore_mem>>
          %dma_wait3A_275 = tpu.memref_squeeze %dma_wait3A_274 : memref<1x!tpu.dma_semaphore, #tpu.memory_space<semaphore_mem>> -> memref<!tpu.dma_semaphore, #tpu.memory_space<semaphore_mem>>
          %dma_wait3A_276 = arith.constant 0 : i32
          %dma_wait3A_277 = tpu.memref_slice %arg4[%mul3A_267, %dma_wait3A_276] : memref<65536x256xi32, #tpu.memory_space<hbm>> -> memref<128x256xi32, #tpu.memory_space<hbm>>
          %dma_wait3A_278 = arith.constant 0 : i32
          %dma_wait3A_279 = arith.constant 0 : i32
          %dma_wait3A_280 = tpu.memref_slice %run_scoped3A_8[%rem3A_265, %dma_wait3A_278, %dma_wait3A_279] : memref<2x128x256xi32, #tpu.memory_space<vmem>> -> memref<1x128x256xi32, #tpu.memory_space<vmem>>
          %dma_wait3A_281 = tpu.memref_squeeze %dma_wait3A_280 : memref<1x128x256xi32, #tpu.memory_space<vmem>> -> memref<128x256xi32, #tpu.memory_space<vmem>>
          tpu.wait_dma2 semaphore(%dma_wait3A_275 : memref<!tpu.dma_semaphore, #tpu.memory_space<semaphore_mem>>) src(%dma_wait3A_281 : memref<128x256xi32, #tpu.memory_space<vmem>>) dst(%dma_wait3A_277 : memref<128x256xi32, #tpu.memory_space<hbm>>)
          "tpu.trace_stop"() : () -> ()
        } else {
        }
        %and3A_244 = arith.constant true
        %and3A_245 = arith.andi %and3A_240, %and3A_244 : i1
        %add3A_246 = arith.constant 1 : i32
        %add3A_247 = arith.addi %scan3A_125, %add3A_246 : i32
        %select_n3A_248 = arith.select %and3A_245, %add3A_247, %scan3A_125 : i32
        %ne3A_249 = arith.cmpi ne, %add3A_131, %add3A_149 : i32
        %or3A_250 = arith.constant false
        %or3A_251 = arith.ori %or3A_250, %ne3A_249 : i1
        %or3A_252 = arith.ori %or3A_251, %eq3A_130 : i1
        %add3A_253 = arith.constant 1 : i32
        %add3A_254 = arith.addi %scan3A_123, %add3A_253 : i32
        %select_n3A_255 = arith.select %or3A_252, %add3A_254, %scan3A_123 : i32
        %add3A_256 = arith.constant 1 : i32
        %add3A_257 = arith.addi %scan3A_126, %add3A_256 : i32
        %select_n3A_258 = arith.constant true
        %select_n3A_259 = arith.select %select_n3A_258, %add3A_257, %scan3A_126 : i32
        %eq3A_260 = arith.constant 16 : i32
        %eq3A_261 = arith.cmpi eq, %select_n3A_259, %eq3A_260 : i32
        %select_n3A_262 = arith.constant 0 : i32
        %select_n3A_263 = arith.select %eq3A_261, %select_n3A_262, %select_n3A_259 : i32
        scf.yield %select_n3A_167, %select_n3A_255, %select_n3A_221, %select_n3A_248, %select_n3A_263 : i32, i32, i32, i32, i32
      }
      %scan3A_68 = arith.constant 16 : i32
      %sub3A = arith.constant 1 : i32
      %sub3A_69 = arith.subi %scan3A_67#4, %sub3A : i32
      %select_n3A_70 = arith.constant true
      %select_n3A_71 = arith.select %select_n3A_70, %sub3A_69, %scan3A_67#4 : i32
      %eq3A_72 = arith.constant -1 : i32
      %eq3A_73 = arith.cmpi eq, %select_n3A_71, %eq3A_72 : i32
      %select_n3A_74 = arith.constant 15 : i32
      %select_n3A_75 = arith.select %eq3A_73, %select_n3A_74, %select_n3A_71 : i32
      %add3A_76 = arith.addi %select_n3A_75, %mul3A_6 : i32
      %sub3A_77 = arith.constant 1 : i32
      %sub3A_78 = arith.subi %select_n3A_75, %sub3A_77 : i32
      %select_n3A_79 = arith.constant true
      %select_n3A_80 = arith.select %select_n3A_79, %sub3A_78, %select_n3A_75 : i32
      %eq3A_81 = arith.constant -1 : i32
      %eq3A_82 = arith.cmpi eq, %select_n3A_80, %eq3A_81 : i32
      %select_n3A_83 = arith.constant 15 : i32
      %select_n3A_84 = arith.select %eq3A_82, %select_n3A_83, %select_n3A_80 : i32
      %add3A_85 = arith.addi %select_n3A_84, %mul3A_6 : i32
      %add3A_86 = arith.constant 1 : i32
      %add3A_87 = arith.addi %select_n3A_75, %add3A_86 : i32
      %select_n3A_88 = arith.constant true
      %select_n3A_89 = arith.select %select_n3A_88, %add3A_87, %select_n3A_75 : i32
      %eq3A_90 = arith.constant 16 : i32
      %eq3A_91 = arith.cmpi eq, %select_n3A_89, %eq3A_90 : i32
      %select_n3A_92 = arith.constant 0 : i32
      %select_n3A_93 = arith.select %eq3A_91, %select_n3A_92, %select_n3A_89 : i32
      %add3A_94 = arith.addi %select_n3A_93, %mul3A_6 : i32
      %add3A_95 = arith.constant 1 : i32
      %add3A_96 = arith.addi %select_n3A_93, %add3A_95 : i32
      %select_n3A_97 = arith.constant true
      %select_n3A_98 = arith.select %select_n3A_97, %add3A_96, %select_n3A_93 : i32
      %eq3A_99 = arith.constant 16 : i32
      %eq3A_100 = arith.cmpi eq, %select_n3A_98, %eq3A_99 : i32
      %select_n3A_101 = arith.constant 0 : i32
      %select_n3A_102 = arith.select %eq3A_100, %select_n3A_101, %select_n3A_98 : i32
      %add3A_103 = arith.addi %select_n3A_102, %mul3A_6 : i32
      "tpu.trace_start"() <{level = 10 : i32, message = "ep_finalize"}> : () -> ()
      %rem3A_104 = arith.constant 2 : i32
      %rem3A_105 = arith.remui %scan3A_67#3, %rem3A_104 : i32
      %mul3A_106 = arith.constant 128 : i32
      %mul3A_107 = arith.muli %mul3A_106, %add3A_76 : i32
      %dma_wait3A = arith.constant 0 : i32
      %dma_wait3A_108 = arith.constant 0 : i32
      %dma_wait3A_109 = tpu.memref_slice %run_scoped3A_8[%rem3A_105, %dma_wait3A, %dma_wait3A_108] : memref<2x128x256xi32, #tpu.memory_space<vmem>> -> memref<1x128x256xi32, #tpu.memory_space<vmem>>
      %dma_wait3A_110 = tpu.memref_squeeze %dma_wait3A_109 : memref<1x128x256xi32, #tpu.memory_space<vmem>> -> memref<128x256xi32, #tpu.memory_space<vmem>>
      %dma_wait3A_111 = arith.constant 0 : i32
      %dma_wait3A_112 = tpu.memref_slice %arg4[%mul3A_107, %dma_wait3A_111] : memref<65536x256xi32, #tpu.memory_space<hbm>> -> memref<128x256xi32, #tpu.memory_space<hbm>>
      %dma_wait3A_113 = tpu.memref_slice %run_scoped3A_9[%rem3A_105] : memref<2x!tpu.dma_semaphore, #tpu.memory_space<semaphore_mem>> -> memref<1x!tpu.dma_semaphore, #tpu.memory_space<semaphore_mem>>
      %dma_wait3A_114 = tpu.memref_squeeze %dma_wait3A_113 : memref<1x!tpu.dma_semaphore, #tpu.memory_space<semaphore_mem>> -> memref<!tpu.dma_semaphore, #tpu.memory_space<semaphore_mem>>
      %dma_wait3A_115 = arith.constant 0 : i32
      %dma_wait3A_116 = tpu.memref_slice %arg4[%mul3A_107, %dma_wait3A_115] : memref<65536x256xi32, #tpu.memory_space<hbm>> -> memref<128x256xi32, #tpu.memory_space<hbm>>
      %dma_wait3A_117 = arith.constant 0 : i32
      %dma_wait3A_118 = arith.constant 0 : i32
      %dma_wait3A_119 = tpu.memref_slice %run_scoped3A_8[%rem3A_105, %dma_wait3A_117, %dma_wait3A_118] : memref<2x128x256xi32, #tpu.memory_space<vmem>> -> memref<1x128x256xi32, #tpu.memory_space<vmem>>
      %dma_wait3A_120 = tpu.memref_squeeze %dma_wait3A_119 : memref<1x128x256xi32, #tpu.memory_space<vmem>> -> memref<128x256xi32, #tpu.memory_space<vmem>>
      tpu.wait_dma2 semaphore(%dma_wait3A_114 : memref<!tpu.dma_semaphore, #tpu.memory_space<semaphore_mem>>) src(%dma_wait3A_120 : memref<128x256xi32, #tpu.memory_space<vmem>>) dst(%dma_wait3A_116 : memref<128x256xi32, #tpu.memory_space<hbm>>)
      "tpu.trace_stop"() : () -> ()
      tpu.yield
    }) : () -> ()
    return
  }
}

module attributes {stable_mosaic.version = 14 : i64} {
  func.func @_stage1b_body(%arg0: i32, %arg1: i32, %arg2: memref<1x4096x256xf32, #tpu.memory_space<vmem>>, %arg3: memref<1x256x256xf32, #tpu.memory_space<vmem>>, %arg4: memref<1x16x256xi32, #tpu.memory_space<vmem>>) attributes {dimension_semantics = [#tpu.dimension_semantics<parallel>, #tpu.dimension_semantics<parallel>], iteration_bounds = array<i64: 1, 16>, scalar_prefetch = 0 : i64, scratch_operands = 0 : i64, tpu.core_type = #tpu.core_type<tc>, window_params = [{transform_indices = @transform_0, window_bounds = array<i64: 1, 4096, 256>}, {transform_indices = @transform_1, window_bounds = array<i64: 1, 256, 256>}, {transform_indices = @transform_2, window_bounds = array<i64: 1, 16, 256>}]} {
    %get3A = arith.constant 0 : index
    %get3A_0 = arith.constant 0 : index
    %get3A_1 = arith.constant 0 : index
    %get3A_2 = vector.load %arg2[%get3A, %get3A_0, %get3A_1] : memref<1x4096x256xf32, #tpu.memory_space<vmem>>, vector<1x4096x256xf32>
    %get3A_3 = vector.shape_cast %get3A_2 : vector<1x4096x256xf32> to vector<4096x256xf32>
    %get3A_4 = arith.constant 0 : index
    %get3A_5 = arith.constant 0 : index
    %get3A_6 = arith.constant 0 : index
    %get3A_7 = vector.load %arg3[%get3A_4, %get3A_5, %get3A_6] : memref<1x256x256xf32, #tpu.memory_space<vmem>>, vector<1x256x256xf32>
    %get3A_8 = vector.shape_cast %get3A_7 : vector<1x256x256xf32> to vector<256x256xf32>
    %dot_general3A = arith.constant dense<0.000000e+00> : vector<4096x256xf32>
    %dot_general3A_9 = tpu.matmul %get3A_3, %get3A_8, %dot_general3A {dimension_numbers = #tpu.dot_dimension_numbers<[1], [1], [0], [0], [0, 0, 1, 0], [], []>, transpose_lhs_hint = false} : vector<4096x256xf32>, vector<256x256xf32>, vector<4096x256xf32> -> vector<4096x256xf32>
    %mul3A = arith.mulf %get3A_3, %get3A_3 : vector<4096x256xf32>
    %reduce_sum3A = arith.constant dense<0.000000e+00> : vector<4096xf32>
    %reduce_sum3A_10 = vector.multi_reduction <add>, %mul3A, %reduce_sum3A [1] : vector<4096x256xf32> to vector<4096xf32>
    %broadcast_in_dim3A = vector.shape_cast %reduce_sum3A_10 : vector<4096xf32> to vector<4096x1xf32>
    %add3A = arith.addf %dot_general3A_9, %dot_general3A_9 : vector<4096x256xf32>
    %sub3A = vector.broadcast %broadcast_in_dim3A : vector<4096x1xf32> to vector<4096x256xf32>
    %sub3A_11 = arith.subf %sub3A, %add3A : vector<4096x256xf32>
    %iota3A = tpu.iota {dimensions = array<i32: 0>} : vector<4096x256xi32>
    %argmin3A = tpu.reduce_index %sub3A_11 {axis = 0 : i32, kind = #tpu.reduction_kind<arg_min>} : vector<4096x256xf32> -> vector<256xi32>
    %swap3A = arith.constant 0 : index
    %swap3A_12 = arith.constant 0 : index
    %swap3A_13 = arith.constant 0 : index
    %swap3A_14 = vector.load %arg4[%swap3A, %swap3A_12, %swap3A_13] : memref<1x16x256xi32, #tpu.memory_space<vmem>>, vector<1x1x256xi32>
    %swap3A_15 = vector.shape_cast %swap3A_14 : vector<1x1x256xi32> to vector<256xi32>
    %swap3A_16 = vector.shape_cast %argmin3A : vector<256xi32> to vector<1x1x256xi32>
    tpu.vector_store %arg4[%swap3A, %swap3A_12, %swap3A_13], %swap3A_16 {strides = array<i32>} : memref<1x16x256xi32, #tpu.memory_space<vmem>>, vector<1x1x256xi32>,
    %broadcast_in_dim3A_17 = vector.shape_cast %argmin3A : vector<256xi32> to vector<1x256xi32>
    %eq3A = vector.broadcast %broadcast_in_dim3A_17 : vector<1x256xi32> to vector<4096x256xi32>
    %eq3A_18 = arith.cmpi eq, %iota3A, %eq3A : vector<4096x256xi32>
    %jit3A = arith.constant 3.000000e+38 : f32
    %broadcast_in_dim3A_19 = vector.broadcast %jit3A : f32 to vector<4096x256xf32>
    %select_n3A = arith.select %eq3A_18, %broadcast_in_dim3A_19, %sub3A_11 : vector<4096x256xi1>, vector<4096x256xf32>
    %argmin3A_20 = tpu.reduce_index %select_n3A {axis = 0 : i32, kind = #tpu.reduction_kind<arg_min>} : vector<4096x256xf32> -> vector<256xi32>
    %swap3A_21 = arith.constant 0 : index
    %swap3A_22 = arith.constant 1 : index
    %swap3A_23 = arith.constant 0 : index
    %swap3A_24 = vector.load %arg4[%swap3A_21, %swap3A_22, %swap3A_23] : memref<1x16x256xi32, #tpu.memory_space<vmem>>, vector<1x1x256xi32>
    %swap3A_25 = vector.shape_cast %swap3A_24 : vector<1x1x256xi32> to vector<256xi32>
    %swap3A_26 = vector.shape_cast %argmin3A_20 : vector<256xi32> to vector<1x1x256xi32>
    tpu.vector_store %arg4[%swap3A_21, %swap3A_22, %swap3A_23], %swap3A_26 {strides = array<i32>} : memref<1x16x256xi32, #tpu.memory_space<vmem>>, vector<1x1x256xi32>,
    %broadcast_in_dim3A_27 = vector.shape_cast %argmin3A_20 : vector<256xi32> to vector<1x256xi32>
    %eq3A_28 = vector.broadcast %broadcast_in_dim3A_27 : vector<1x256xi32> to vector<4096x256xi32>
    %eq3A_29 = arith.cmpi eq, %iota3A, %eq3A_28 : vector<4096x256xi32>
    %jit3A_30 = arith.constant 3.000000e+38 : f32
    %broadcast_in_dim3A_31 = vector.broadcast %jit3A_30 : f32 to vector<4096x256xf32>
    %select_n3A_32 = arith.select %eq3A_29, %broadcast_in_dim3A_31, %select_n3A : vector<4096x256xi1>, vector<4096x256xf32>
    %argmin3A_33 = tpu.reduce_index %select_n3A_32 {axis = 0 : i32, kind = #tpu.reduction_kind<arg_min>} : vector<4096x256xf32> -> vector<256xi32>
    %swap3A_34 = arith.constant 0 : index
    %swap3A_35 = arith.constant 2 : index
    %swap3A_36 = arith.constant 0 : index
    %swap3A_37 = vector.load %arg4[%swap3A_34, %swap3A_35, %swap3A_36] : memref<1x16x256xi32, #tpu.memory_space<vmem>>, vector<1x1x256xi32>
    %swap3A_38 = vector.shape_cast %swap3A_37 : vector<1x1x256xi32> to vector<256xi32>
    %swap3A_39 = vector.shape_cast %argmin3A_33 : vector<256xi32> to vector<1x1x256xi32>
    tpu.vector_store %arg4[%swap3A_34, %swap3A_35, %swap3A_36], %swap3A_39 {strides = array<i32>} : memref<1x16x256xi32, #tpu.memory_space<vmem>>, vector<1x1x256xi32>,
    %broadcast_in_dim3A_40 = vector.shape_cast %argmin3A_33 : vector<256xi32> to vector<1x256xi32>
    %eq3A_41 = vector.broadcast %broadcast_in_dim3A_40 : vector<1x256xi32> to vector<4096x256xi32>
    %eq3A_42 = arith.cmpi eq, %iota3A, %eq3A_41 : vector<4096x256xi32>
    %jit3A_43 = arith.constant 3.000000e+38 : f32
    %broadcast_in_dim3A_44 = vector.broadcast %jit3A_43 : f32 to vector<4096x256xf32>
    %select_n3A_45 = arith.select %eq3A_42, %broadcast_in_dim3A_44, %select_n3A_32 : vector<4096x256xi1>, vector<4096x256xf32>
    %argmin3A_46 = tpu.reduce_index %select_n3A_45 {axis = 0 : i32, kind = #tpu.reduction_kind<arg_min>} : vector<4096x256xf32> -> vector<256xi32>
    %swap3A_47 = arith.constant 0 : index
    %swap3A_48 = arith.constant 3 : index
    %swap3A_49 = arith.constant 0 : index
    %swap3A_50 = vector.load %arg4[%swap3A_47, %swap3A_48, %swap3A_49] : memref<1x16x256xi32, #tpu.memory_space<vmem>>, vector<1x1x256xi32>
    %swap3A_51 = vector.shape_cast %swap3A_50 : vector<1x1x256xi32> to vector<256xi32>
    %swap3A_52 = vector.shape_cast %argmin3A_46 : vector<256xi32> to vector<1x1x256xi32>
    tpu.vector_store %arg4[%swap3A_47, %swap3A_48, %swap3A_49], %swap3A_52 {strides = array<i32>} : memref<1x16x256xi32, #tpu.memory_space<vmem>>, vector<1x1x256xi32>,
    %broadcast_in_dim3A_53 = vector.shape_cast %argmin3A_46 : vector<256xi32> to vector<1x256xi32>
    %eq3A_54 = vector.broadcast %broadcast_in_dim3A_53 : vector<1x256xi32> to vector<4096x256xi32>
    %eq3A_55 = arith.cmpi eq, %iota3A, %eq3A_54 : vector<4096x256xi32>
    %jit3A_56 = arith.constant 3.000000e+38 : f32
    %broadcast_in_dim3A_57 = vector.broadcast %jit3A_56 : f32 to vector<4096x256xf32>
    %select_n3A_58 = arith.select %eq3A_55, %broadcast_in_dim3A_57, %select_n3A_45 : vector<4096x256xi1>, vector<4096x256xf32>
    %argmin3A_59 = tpu.reduce_index %select_n3A_58 {axis = 0 : i32, kind = #tpu.reduction_kind<arg_min>} : vector<4096x256xf32> -> vector<256xi32>
    %swap3A_60 = arith.constant 0 : index
    %swap3A_61 = arith.constant 4 : index
    %swap3A_62 = arith.constant 0 : index
    %swap3A_63 = vector.load %arg4[%swap3A_60, %swap3A_61, %swap3A_62] : memref<1x16x256xi32, #tpu.memory_space<vmem>>, vector<1x1x256xi32>
    %swap3A_64 = vector.shape_cast %swap3A_63 : vector<1x1x256xi32> to vector<256xi32>
    %swap3A_65 = vector.shape_cast %argmin3A_59 : vector<256xi32> to vector<1x1x256xi32>
    tpu.vector_store %arg4[%swap3A_60, %swap3A_61, %swap3A_62], %swap3A_65 {strides = array<i32>} : memref<1x16x256xi32, #tpu.memory_space<vmem>>, vector<1x1x256xi32>,
    %broadcast_in_dim3A_66 = vector.shape_cast %argmin3A_59 : vector<256xi32> to vector<1x256xi32>
    %eq3A_67 = vector.broadcast %broadcast_in_dim3A_66 : vector<1x256xi32> to vector<4096x256xi32>
    %eq3A_68 = arith.cmpi eq, %iota3A, %eq3A_67 : vector<4096x256xi32>
    %jit3A_69 = arith.constant 3.000000e+38 : f32
    %broadcast_in_dim3A_70 = vector.broadcast %jit3A_69 : f32 to vector<4096x256xf32>
    %select_n3A_71 = arith.select %eq3A_68, %broadcast_in_dim3A_70, %select_n3A_58 : vector<4096x256xi1>, vector<4096x256xf32>
    %argmin3A_72 = tpu.reduce_index %select_n3A_71 {axis = 0 : i32, kind = #tpu.reduction_kind<arg_min>} : vector<4096x256xf32> -> vector<256xi32>
    %swap3A_73 = arith.constant 0 : index
    %swap3A_74 = arith.constant 5 : index
    %swap3A_75 = arith.constant 0 : index
    %swap3A_76 = vector.load %arg4[%swap3A_73, %swap3A_74, %swap3A_75] : memref<1x16x256xi32, #tpu.memory_space<vmem>>, vector<1x1x256xi32>
    %swap3A_77 = vector.shape_cast %swap3A_76 : vector<1x1x256xi32> to vector<256xi32>
    %swap3A_78 = vector.shape_cast %argmin3A_72 : vector<256xi32> to vector<1x1x256xi32>
    tpu.vector_store %arg4[%swap3A_73, %swap3A_74, %swap3A_75], %swap3A_78 {strides = array<i32>} : memref<1x16x256xi32, #tpu.memory_space<vmem>>, vector<1x1x256xi32>,
    %broadcast_in_dim3A_79 = vector.shape_cast %argmin3A_72 : vector<256xi32> to vector<1x256xi32>
    %eq3A_80 = vector.broadcast %broadcast_in_dim3A_79 : vector<1x256xi32> to vector<4096x256xi32>
    %eq3A_81 = arith.cmpi eq, %iota3A, %eq3A_80 : vector<4096x256xi32>
    %jit3A_82 = arith.constant 3.000000e+38 : f32
    %broadcast_in_dim3A_83 = vector.broadcast %jit3A_82 : f32 to vector<4096x256xf32>
    %select_n3A_84 = arith.select %eq3A_81, %broadcast_in_dim3A_83, %select_n3A_71 : vector<4096x256xi1>, vector<4096x256xf32>
    %argmin3A_85 = tpu.reduce_index %select_n3A_84 {axis = 0 : i32, kind = #tpu.reduction_kind<arg_min>} : vector<4096x256xf32> -> vector<256xi32>
    %swap3A_86 = arith.constant 0 : index
    %swap3A_87 = arith.constant 6 : index
    %swap3A_88 = arith.constant 0 : index
    %swap3A_89 = vector.load %arg4[%swap3A_86, %swap3A_87, %swap3A_88] : memref<1x16x256xi32, #tpu.memory_space<vmem>>, vector<1x1x256xi32>
    %swap3A_90 = vector.shape_cast %swap3A_89 : vector<1x1x256xi32> to vector<256xi32>
    %swap3A_91 = vector.shape_cast %argmin3A_85 : vector<256xi32> to vector<1x1x256xi32>
    tpu.vector_store %arg4[%swap3A_86, %swap3A_87, %swap3A_88], %swap3A_91 {strides = array<i32>} : memref<1x16x256xi32, #tpu.memory_space<vmem>>, vector<1x1x256xi32>,
    %broadcast_in_dim3A_92 = vector.shape_cast %argmin3A_85 : vector<256xi32> to vector<1x256xi32>
    %eq3A_93 = vector.broadcast %broadcast_in_dim3A_92 : vector<1x256xi32> to vector<4096x256xi32>
    %eq3A_94 = arith.cmpi eq, %iota3A, %eq3A_93 : vector<4096x256xi32>
    %jit3A_95 = arith.constant 3.000000e+38 : f32
    %broadcast_in_dim3A_96 = vector.broadcast %jit3A_95 : f32 to vector<4096x256xf32>
    %select_n3A_97 = arith.select %eq3A_94, %broadcast_in_dim3A_96, %select_n3A_84 : vector<4096x256xi1>, vector<4096x256xf32>
    %argmin3A_98 = tpu.reduce_index %select_n3A_97 {axis = 0 : i32, kind = #tpu.reduction_kind<arg_min>} : vector<4096x256xf32> -> vector<256xi32>
    %swap3A_99 = arith.constant 0 : index
    %swap3A_100 = arith.constant 7 : index
    %swap3A_101 = arith.constant 0 : index
    %swap3A_102 = vector.load %arg4[%swap3A_99, %swap3A_100, %swap3A_101] : memref<1x16x256xi32, #tpu.memory_space<vmem>>, vector<1x1x256xi32>
    %swap3A_103 = vector.shape_cast %swap3A_102 : vector<1x1x256xi32> to vector<256xi32>
    %swap3A_104 = vector.shape_cast %argmin3A_98 : vector<256xi32> to vector<1x1x256xi32>
    tpu.vector_store %arg4[%swap3A_99, %swap3A_100, %swap3A_101], %swap3A_104 {strides = array<i32>} : memref<1x16x256xi32, #tpu.memory_space<vmem>>, vector<1x1x256xi32>,
    %broadcast_in_dim3A_105 = vector.shape_cast %argmin3A_98 : vector<256xi32> to vector<1x256xi32>
    %eq3A_106 = vector.broadcast %broadcast_in_dim3A_105 : vector<1x256xi32> to vector<4096x256xi32>
    %eq3A_107 = arith.cmpi eq, %iota3A, %eq3A_106 : vector<4096x256xi32>
    %jit3A_108 = arith.constant 3.000000e+38 : f32
    %broadcast_in_dim3A_109 = vector.broadcast %jit3A_108 : f32 to vector<4096x256xf32>
    %select_n3A_110 = arith.select %eq3A_107, %broadcast_in_dim3A_109, %select_n3A_97 : vector<4096x256xi1>, vector<4096x256xf32>
    %argmin3A_111 = tpu.reduce_index %select_n3A_110 {axis = 0 : i32, kind = #tpu.reduction_kind<arg_min>} : vector<4096x256xf32> -> vector<256xi32>
    %swap3A_112 = arith.constant 0 : index
    %swap3A_113 = arith.constant 8 : index
    %swap3A_114 = arith.constant 0 : index
    %swap3A_115 = vector.load %arg4[%swap3A_112, %swap3A_113, %swap3A_114] : memref<1x16x256xi32, #tpu.memory_space<vmem>>, vector<1x1x256xi32>
    %swap3A_116 = vector.shape_cast %swap3A_115 : vector<1x1x256xi32> to vector<256xi32>
    %swap3A_117 = vector.shape_cast %argmin3A_111 : vector<256xi32> to vector<1x1x256xi32>
    tpu.vector_store %arg4[%swap3A_112, %swap3A_113, %swap3A_114], %swap3A_117 {strides = array<i32>} : memref<1x16x256xi32, #tpu.memory_space<vmem>>, vector<1x1x256xi32>,
    %broadcast_in_dim3A_118 = vector.shape_cast %argmin3A_111 : vector<256xi32> to vector<1x256xi32>
    %eq3A_119 = vector.broadcast %broadcast_in_dim3A_118 : vector<1x256xi32> to vector<4096x256xi32>
    %eq3A_120 = arith.cmpi eq, %iota3A, %eq3A_119 : vector<4096x256xi32>
    %jit3A_121 = arith.constant 3.000000e+38 : f32
    %broadcast_in_dim3A_122 = vector.broadcast %jit3A_121 : f32 to vector<4096x256xf32>
    %select_n3A_123 = arith.select %eq3A_120, %broadcast_in_dim3A_122, %select_n3A_110 : vector<4096x256xi1>, vector<4096x256xf32>
    %argmin3A_124 = tpu.reduce_index %select_n3A_123 {axis = 0 : i32, kind = #tpu.reduction_kind<arg_min>} : vector<4096x256xf32> -> vector<256xi32>
    %swap3A_125 = arith.constant 0 : index
    %swap3A_126 = arith.constant 9 : index
    %swap3A_127 = arith.constant 0 : index
    %swap3A_128 = vector.load %arg4[%swap3A_125, %swap3A_126, %swap3A_127] : memref<1x16x256xi32, #tpu.memory_space<vmem>>, vector<1x1x256xi32>
    %swap3A_129 = vector.shape_cast %swap3A_128 : vector<1x1x256xi32> to vector<256xi32>
    %swap3A_130 = vector.shape_cast %argmin3A_124 : vector<256xi32> to vector<1x1x256xi32>
    tpu.vector_store %arg4[%swap3A_125, %swap3A_126, %swap3A_127], %swap3A_130 {strides = array<i32>} : memref<1x16x256xi32, #tpu.memory_space<vmem>>, vector<1x1x256xi32>,
    %broadcast_in_dim3A_131 = vector.shape_cast %argmin3A_124 : vector<256xi32> to vector<1x256xi32>
    %eq3A_132 = vector.broadcast %broadcast_in_dim3A_131 : vector<1x256xi32> to vector<4096x256xi32>
    %eq3A_133 = arith.cmpi eq, %iota3A, %eq3A_132 : vector<4096x256xi32>
    %jit3A_134 = arith.constant 3.000000e+38 : f32
    %broadcast_in_dim3A_135 = vector.broadcast %jit3A_134 : f32 to vector<4096x256xf32>
    %select_n3A_136 = arith.select %eq3A_133, %broadcast_in_dim3A_135, %select_n3A_123 : vector<4096x256xi1>, vector<4096x256xf32>
    %argmin3A_137 = tpu.reduce_index %select_n3A_136 {axis = 0 : i32, kind = #tpu.reduction_kind<arg_min>} : vector<4096x256xf32> -> vector<256xi32>
    %swap3A_138 = arith.constant 0 : index
    %swap3A_139 = arith.constant 10 : index
    %swap3A_140 = arith.constant 0 : index
    %swap3A_141 = vector.load %arg4[%swap3A_138, %swap3A_139, %swap3A_140] : memref<1x16x256xi32, #tpu.memory_space<vmem>>, vector<1x1x256xi32>
    %swap3A_142 = vector.shape_cast %swap3A_141 : vector<1x1x256xi32> to vector<256xi32>
    %swap3A_143 = vector.shape_cast %argmin3A_137 : vector<256xi32> to vector<1x1x256xi32>
    tpu.vector_store %arg4[%swap3A_138, %swap3A_139, %swap3A_140], %swap3A_143 {strides = array<i32>} : memref<1x16x256xi32, #tpu.memory_space<vmem>>, vector<1x1x256xi32>,
    %broadcast_in_dim3A_144 = vector.shape_cast %argmin3A_137 : vector<256xi32> to vector<1x256xi32>
    %eq3A_145 = vector.broadcast %broadcast_in_dim3A_144 : vector<1x256xi32> to vector<4096x256xi32>
    %eq3A_146 = arith.cmpi eq, %iota3A, %eq3A_145 : vector<4096x256xi32>
    %jit3A_147 = arith.constant 3.000000e+38 : f32
    %broadcast_in_dim3A_148 = vector.broadcast %jit3A_147 : f32 to vector<4096x256xf32>
    %select_n3A_149 = arith.select %eq3A_146, %broadcast_in_dim3A_148, %select_n3A_136 : vector<4096x256xi1>, vector<4096x256xf32>
    %argmin3A_150 = tpu.reduce_index %select_n3A_149 {axis = 0 : i32, kind = #tpu.reduction_kind<arg_min>} : vector<4096x256xf32> -> vector<256xi32>
    %swap3A_151 = arith.constant 0 : index
    %swap3A_152 = arith.constant 11 : index
    %swap3A_153 = arith.constant 0 : index
    %swap3A_154 = vector.load %arg4[%swap3A_151, %swap3A_152, %swap3A_153] : memref<1x16x256xi32, #tpu.memory_space<vmem>>, vector<1x1x256xi32>
    %swap3A_155 = vector.shape_cast %swap3A_154 : vector<1x1x256xi32> to vector<256xi32>
    %swap3A_156 = vector.shape_cast %argmin3A_150 : vector<256xi32> to vector<1x1x256xi32>
    tpu.vector_store %arg4[%swap3A_151, %swap3A_152, %swap3A_153], %swap3A_156 {strides = array<i32>} : memref<1x16x256xi32, #tpu.memory_space<vmem>>, vector<1x1x256xi32>,
    %broadcast_in_dim3A_157 = vector.shape_cast %argmin3A_150 : vector<256xi32> to vector<1x256xi32>
    %eq3A_158 = vector.broadcast %broadcast_in_dim3A_157 : vector<1x256xi32> to vector<4096x256xi32>
    %eq3A_159 = arith.cmpi eq, %iota3A, %eq3A_158 : vector<4096x256xi32>
    %jit3A_160 = arith.constant 3.000000e+38 : f32
    %broadcast_in_dim3A_161 = vector.broadcast %jit3A_160 : f32 to vector<4096x256xf32>
    %select_n3A_162 = arith.select %eq3A_159, %broadcast_in_dim3A_161, %select_n3A_149 : vector<4096x256xi1>, vector<4096x256xf32>
    %argmin3A_163 = tpu.reduce_index %select_n3A_162 {axis = 0 : i32, kind = #tpu.reduction_kind<arg_min>} : vector<4096x256xf32> -> vector<256xi32>
    %swap3A_164 = arith.constant 0 : index
    %swap3A_165 = arith.constant 12 : index
    %swap3A_166 = arith.constant 0 : index
    %swap3A_167 = vector.load %arg4[%swap3A_164, %swap3A_165, %swap3A_166] : memref<1x16x256xi32, #tpu.memory_space<vmem>>, vector<1x1x256xi32>
    %swap3A_168 = vector.shape_cast %swap3A_167 : vector<1x1x256xi32> to vector<256xi32>
    %swap3A_169 = vector.shape_cast %argmin3A_163 : vector<256xi32> to vector<1x1x256xi32>
    tpu.vector_store %arg4[%swap3A_164, %swap3A_165, %swap3A_166], %swap3A_169 {strides = array<i32>} : memref<1x16x256xi32, #tpu.memory_space<vmem>>, vector<1x1x256xi32>,
    %broadcast_in_dim3A_170 = vector.shape_cast %argmin3A_163 : vector<256xi32> to vector<1x256xi32>
    %eq3A_171 = vector.broadcast %broadcast_in_dim3A_170 : vector<1x256xi32> to vector<4096x256xi32>
    %eq3A_172 = arith.cmpi eq, %iota3A, %eq3A_171 : vector<4096x256xi32>
    %jit3A_173 = arith.constant 3.000000e+38 : f32
    %broadcast_in_dim3A_174 = vector.broadcast %jit3A_173 : f32 to vector<4096x256xf32>
    %select_n3A_175 = arith.select %eq3A_172, %broadcast_in_dim3A_174, %select_n3A_162 : vector<4096x256xi1>, vector<4096x256xf32>
    %argmin3A_176 = tpu.reduce_index %select_n3A_175 {axis = 0 : i32, kind = #tpu.reduction_kind<arg_min>} : vector<4096x256xf32> -> vector<256xi32>
    %swap3A_177 = arith.constant 0 : index
    %swap3A_178 = arith.constant 13 : index
    %swap3A_179 = arith.constant 0 : index
    %swap3A_180 = vector.load %arg4[%swap3A_177, %swap3A_178, %swap3A_179] : memref<1x16x256xi32, #tpu.memory_space<vmem>>, vector<1x1x256xi32>
    %swap3A_181 = vector.shape_cast %swap3A_180 : vector<1x1x256xi32> to vector<256xi32>
    %swap3A_182 = vector.shape_cast %argmin3A_176 : vector<256xi32> to vector<1x1x256xi32>
    tpu.vector_store %arg4[%swap3A_177, %swap3A_178, %swap3A_179], %swap3A_182 {strides = array<i32>} : memref<1x16x256xi32, #tpu.memory_space<vmem>>, vector<1x1x256xi32>,
    %broadcast_in_dim3A_183 = vector.shape_cast %argmin3A_176 : vector<256xi32> to vector<1x256xi32>
    %eq3A_184 = vector.broadcast %broadcast_in_dim3A_183 : vector<1x256xi32> to vector<4096x256xi32>
    %eq3A_185 = arith.cmpi eq, %iota3A, %eq3A_184 : vector<4096x256xi32>
    %jit3A_186 = arith.constant 3.000000e+38 : f32
    %broadcast_in_dim3A_187 = vector.broadcast %jit3A_186 : f32 to vector<4096x256xf32>
    %select_n3A_188 = arith.select %eq3A_185, %broadcast_in_dim3A_187, %select_n3A_175 : vector<4096x256xi1>, vector<4096x256xf32>
    %argmin3A_189 = tpu.reduce_index %select_n3A_188 {axis = 0 : i32, kind = #tpu.reduction_kind<arg_min>} : vector<4096x256xf32> -> vector<256xi32>
    %swap3A_190 = arith.constant 0 : index
    %swap3A_191 = arith.constant 14 : index
    %swap3A_192 = arith.constant 0 : index
    %swap3A_193 = vector.load %arg4[%swap3A_190, %swap3A_191, %swap3A_192] : memref<1x16x256xi32, #tpu.memory_space<vmem>>, vector<1x1x256xi32>
    %swap3A_194 = vector.shape_cast %swap3A_193 : vector<1x1x256xi32> to vector<256xi32>
    %swap3A_195 = vector.shape_cast %argmin3A_189 : vector<256xi32> to vector<1x1x256xi32>
    tpu.vector_store %arg4[%swap3A_190, %swap3A_191, %swap3A_192], %swap3A_195 {strides = array<i32>} : memref<1x16x256xi32, #tpu.memory_space<vmem>>, vector<1x1x256xi32>,
    %broadcast_in_dim3A_196 = vector.shape_cast %argmin3A_189 : vector<256xi32> to vector<1x256xi32>
    %eq3A_197 = vector.broadcast %broadcast_in_dim3A_196 : vector<1x256xi32> to vector<4096x256xi32>
    %eq3A_198 = arith.cmpi eq, %iota3A, %eq3A_197 : vector<4096x256xi32>
    %jit3A_199 = arith.constant 3.000000e+38 : f32
    %broadcast_in_dim3A_200 = vector.broadcast %jit3A_199 : f32 to vector<4096x256xf32>
    %select_n3A_201 = arith.select %eq3A_198, %broadcast_in_dim3A_200, %select_n3A_188 : vector<4096x256xi1>, vector<4096x256xf32>
    %argmin3A_202 = tpu.reduce_index %select_n3A_201 {axis = 0 : i32, kind = #tpu.reduction_kind<arg_min>} : vector<4096x256xf32> -> vector<256xi32>
    %swap3A_203 = arith.constant 0 : index
    %swap3A_204 = arith.constant 15 : index
    %swap3A_205 = arith.constant 0 : index
    %swap3A_206 = vector.load %arg4[%swap3A_203, %swap3A_204, %swap3A_205] : memref<1x16x256xi32, #tpu.memory_space<vmem>>, vector<1x1x256xi32>
    %swap3A_207 = vector.shape_cast %swap3A_206 : vector<1x1x256xi32> to vector<256xi32>
    %swap3A_208 = vector.shape_cast %argmin3A_202 : vector<256xi32> to vector<1x1x256xi32>
    tpu.vector_store %arg4[%swap3A_203, %swap3A_204, %swap3A_205], %swap3A_208 {strides = array<i32>} : memref<1x16x256xi32, #tpu.memory_space<vmem>>, vector<1x1x256xi32>,
    return
  }
  func.func @transform_0(%arg0: i32, %arg1: i32) -> (i32, i32, i32) {
    %c0_i32 = arith.constant 0 : i32
    %c0_i32_0 = arith.constant 0 : i32
    %c0_i32_1 = arith.constant 0 : i32
    return %arg0, %c0_i32, %c0_i32_0 : i32, i32, i32
  }
  func.func @transform_1(%arg0: i32, %arg1: i32) -> (i32, i32, i32) {
    %c0_i32 = arith.constant 0 : i32
    %c0_i32_0 = arith.constant 0 : i32
    return %arg0, %arg1, %c0_i32 : i32, i32, i32
  }
  func.func @transform_2(%arg0: i32, %arg1: i32) -> (i32, i32, i32) {
    %c0_i32 = arith.constant 0 : i32
    %c0_i32_0 = arith.constant 0 : i32
    return %arg0, %c0_i32, %arg1 : i32, i32, i32
  }
}

module attributes {stable_mosaic.version = 14 : i64} {
  func.func @_stage1a_body(%arg0: i32, %arg1: i32, %arg2: memref<1x256x256xf32, #tpu.memory_space<vmem>>, %arg3: memref<1x256x128xf32, #tpu.memory_space<vmem>>, %arg4: memref<256x256xf32, #tpu.memory_space<vmem>>, %arg5: memref<1x256xf32, #tpu.memory_space<vmem>>, %arg6: memref<256x256xf32, #tpu.memory_space<vmem>>, %arg7: memref<1x256xf32, #tpu.memory_space<vmem>>, %arg8: memref<256x256xf32, #tpu.memory_space<vmem>>, %arg9: memref<1x256xf32, #tpu.memory_space<vmem>>, %arg10: memref<1x256x256xf32, #tpu.memory_space<vmem>>, %arg11: memref<1x256x256xf32, #tpu.memory_space<vmem>>, %arg12: memref<1x256x256xi32, #tpu.memory_space<vmem>>) attributes {dimension_semantics = [#tpu.dimension_semantics<parallel>, #tpu.dimension_semantics<parallel>], iteration_bounds = array<i64: 1, 16>, scalar_prefetch = 0 : i64, scratch_operands = 0 : i64, tpu.core_type = #tpu.core_type<tc>, window_params = [{transform_indices = @transform_0, window_bounds = array<i64: 1, 256, 256>}, {transform_indices = @transform_1, window_bounds = array<i64: 1, 256, 128>}, {pipeline_mode = #tpu.pipeline_mode<synchronous>, transform_indices = @transform_2, window_bounds = array<i64: 256, 256>}, {pipeline_mode = #tpu.pipeline_mode<synchronous>, transform_indices = @transform_3, window_bounds = array<i64: 1, 256>}, {pipeline_mode = #tpu.pipeline_mode<synchronous>, transform_indices = @transform_4, window_bounds = array<i64: 256, 256>}, {pipeline_mode = #tpu.pipeline_mode<synchronous>, transform_indices = @transform_5, window_bounds = array<i64: 1, 256>}, {pipeline_mode = #tpu.pipeline_mode<synchronous>, transform_indices = @transform_6, window_bounds = array<i64: 256, 256>}, {pipeline_mode = #tpu.pipeline_mode<synchronous>, transform_indices = @transform_7, window_bounds = array<i64: 1, 256>}, {transform_indices = @transform_8, window_bounds = array<i64: 1, 256, 256>}, {transform_indices = @transform_9, window_bounds = array<i64: 1, 256, 256>}, {transform_indices = @transform_10, window_bounds = array<i64: 1, 256, 256>}]} {
    %get3A = arith.constant 0 : index
    %get3A_0 = arith.constant 0 : index
    %get3A_1 = arith.constant 0 : index
    %get3A_2 = vector.load %arg2[%get3A, %get3A_0, %get3A_1] : memref<1x256x256xf32, #tpu.memory_space<vmem>>, vector<1x256x256xf32>
    %get3A_3 = vector.shape_cast %get3A_2 : vector<1x256x256xf32> to vector<256x256xf32>
    %get3A_4 = arith.constant 0 : index
    %get3A_5 = arith.constant 0 : index
    %get3A_6 = vector.load %arg4[%get3A_4, %get3A_5] : memref<256x256xf32, #tpu.memory_space<vmem>>, vector<256x256xf32>
    %dot_general3A = arith.constant dense<0.000000e+00> : vector<256x256xf32>
    %dot_general3A_7 = tpu.matmul %get3A_3, %get3A_6, %dot_general3A {dimension_numbers = #tpu.dot_dimension_numbers<[1], [1], [0], [0], [0, 0, 1, 0], [], []>, transpose_lhs_hint = false} : vector<256x256xf32>, vector<256x256xf32>, vector<256x256xf32> -> vector<256x256xf32>
    %get3A_8 = arith.constant 0 : index
    %get3A_9 = arith.constant 0 : index
    %get3A_10 = vector.load %arg5[%get3A_8, %get3A_9] : memref<1x256xf32, #tpu.memory_space<vmem>>, vector<1x256xf32>
    %add3A = vector.broadcast %get3A_10 : vector<1x256xf32> to vector<256x256xf32>
    %add3A_11 = arith.addf %dot_general3A_7, %add3A : vector<256x256xf32>
    %swap3A = arith.constant 0 : index
    %swap3A_12 = arith.constant 0 : index
    %swap3A_13 = arith.constant 0 : index
    %swap3A_14 = vector.load %arg10[%swap3A, %swap3A_12, %swap3A_13] : memref<1x256x256xf32, #tpu.memory_space<vmem>>, vector<1x256x256xf32>
    %swap3A_15 = vector.shape_cast %swap3A_14 : vector<1x256x256xf32> to vector<256x256xf32>
    %swap3A_16 = vector.shape_cast %add3A_11 : vector<256x256xf32> to vector<1x256x256xf32>
    tpu.vector_store %arg10[%swap3A, %swap3A_12, %swap3A_13], %swap3A_16 {strides = array<i32>} : memref<1x256x256xf32, #tpu.memory_space<vmem>>, vector<1x256x256xf32>,
    %get3A_17 = arith.constant 0 : index
    %get3A_18 = arith.constant 0 : index
    %get3A_19 = vector.load %arg8[%get3A_17, %get3A_18] : memref<256x256xf32, #tpu.memory_space<vmem>>, vector<256x256xf32>
    %dot_general3A_20 = arith.constant dense<0.000000e+00> : vector<256x256xf32>
    %dot_general3A_21 = tpu.matmul %get3A_3, %get3A_19, %dot_general3A_20 {dimension_numbers = #tpu.dot_dimension_numbers<[1], [1], [0], [0], [0, 0, 1, 0], [], []>, transpose_lhs_hint = false} : vector<256x256xf32>, vector<256x256xf32>, vector<256x256xf32> -> vector<256x256xf32>
    %get3A_22 = arith.constant 0 : index
    %get3A_23 = arith.constant 0 : index
    %get3A_24 = vector.load %arg9[%get3A_22, %get3A_23] : memref<1x256xf32, #tpu.memory_space<vmem>>, vector<1x256xf32>
    %add3A_25 = vector.broadcast %get3A_24 : vector<1x256xf32> to vector<256x256xf32>
    %add3A_26 = arith.addf %dot_general3A_21, %add3A_25 : vector<256x256xf32>
    %swap3A_27 = arith.constant 0 : index
    %swap3A_28 = arith.constant 0 : index
    %swap3A_29 = arith.constant 0 : index
    %swap3A_30 = vector.load %arg11[%swap3A_27, %swap3A_28, %swap3A_29] : memref<1x256x256xf32, #tpu.memory_space<vmem>>, vector<1x256x256xf32>
    %swap3A_31 = vector.shape_cast %swap3A_30 : vector<1x256x256xf32> to vector<256x256xf32>
    %swap3A_32 = vector.shape_cast %add3A_26 : vector<256x256xf32> to vector<1x256x256xf32>
    tpu.vector_store %arg11[%swap3A_27, %swap3A_28, %swap3A_29], %swap3A_32 {strides = array<i32>} : memref<1x256x256xf32, #tpu.memory_space<vmem>>, vector<1x256x256xf32>,
    %get3A_33 = arith.constant 0 : index
    %get3A_34 = arith.constant 0 : index
    %get3A_35 = vector.load %arg6[%get3A_33, %get3A_34] : memref<256x256xf32, #tpu.memory_space<vmem>>, vector<256x256xf32>
    %dot_general3A_36 = arith.constant dense<0.000000e+00> : vector<256x256xf32>
    %dot_general3A_37 = tpu.matmul %get3A_3, %get3A_35, %dot_general3A_36 {dimension_numbers = #tpu.dot_dimension_numbers<[1], [1], [0], [0], [0, 0, 1, 0], [], []>, transpose_lhs_hint = false} : vector<256x256xf32>, vector<256x256xf32>, vector<256x256xf32> -> vector<256x256xf32>
    %get3A_38 = arith.constant 0 : index
    %get3A_39 = arith.constant 0 : index
    %get3A_40 = vector.load %arg7[%get3A_38, %get3A_39] : memref<1x256xf32, #tpu.memory_space<vmem>>, vector<1x256xf32>
    %add3A_41 = vector.broadcast %get3A_40 : vector<1x256xf32> to vector<256x256xf32>
    %add3A_42 = arith.addf %dot_general3A_37, %add3A_41 : vector<256x256xf32>
    %slice3A = vector.extract_strided_slice %add3A_42 {offsets = [0, 0], sizes = [256, 128], strides = [1, 1]} : vector<256x256xf32> to vector<256x128xf32>
    %bitcast_convert_type3A = tpu.bitcast %slice3A : vector<256x128xf32> -> vector<256x128xi32>
    %add3A_43 = arith.constant 32768 : i32
    %add3A_44 = vector.broadcast %add3A_43 : i32 to vector<256x128xi32>
    %add3A_45 = arith.addi %bitcast_convert_type3A, %add3A_44 : vector<256x128xi32>
    %shift_right_arithmetic3A = arith.constant 16 : i32
    %shift_right_arithmetic3A_46 = vector.broadcast %shift_right_arithmetic3A : i32 to vector<256x128xi32>
    %shift_right_arithmetic3A_47 = arith.shrsi %add3A_45, %shift_right_arithmetic3A_46 : vector<256x128xi32>
    %and3A = arith.constant 65535 : i32
    %and3A_48 = vector.broadcast %and3A : i32 to vector<256x128xi32>
    %and3A_49 = arith.andi %shift_right_arithmetic3A_47, %and3A_48 : vector<256x128xi32>
    %slice3A_50 = vector.extract_strided_slice %add3A_42 {offsets = [0, 128], sizes = [256, 128], strides = [1, 1]} : vector<256x256xf32> to vector<256x128xf32>
    %bitcast_convert_type3A_51 = tpu.bitcast %slice3A_50 : vector<256x128xf32> -> vector<256x128xi32>
    %add3A_52 = arith.constant 32768 : i32
    %add3A_53 = vector.broadcast %add3A_52 : i32 to vector<256x128xi32>
    %add3A_54 = arith.addi %bitcast_convert_type3A_51, %add3A_53 : vector<256x128xi32>
    %shift_right_arithmetic3A_55 = arith.constant 16 : i32
    %shift_right_arithmetic3A_56 = vector.broadcast %shift_right_arithmetic3A_55 : i32 to vector<256x128xi32>
    %shift_right_arithmetic3A_57 = arith.shrsi %add3A_54, %shift_right_arithmetic3A_56 : vector<256x128xi32>
    %and3A_58 = arith.constant 65535 : i32
    %and3A_59 = vector.broadcast %and3A_58 : i32 to vector<256x128xi32>
    %and3A_60 = arith.andi %shift_right_arithmetic3A_57, %and3A_59 : vector<256x128xi32>
    %shift_left3A = arith.constant 16 : i32
    %shift_left3A_61 = vector.broadcast %shift_left3A : i32 to vector<256x128xi32>
    %shift_left3A_62 = arith.shli %and3A_60, %shift_left3A_61 : vector<256x128xi32>
    %or3A = arith.ori %and3A_49, %shift_left3A_62 : vector<256x128xi32>
    %swap3A_63 = arith.constant 0 : index
    %swap3A_64 = arith.constant 0 : index
    %swap3A_65 = arith.constant 0 : index
    %swap3A_66 = vector.load %arg12[%swap3A_63, %swap3A_64, %swap3A_65] : memref<1x256x256xi32, #tpu.memory_space<vmem>>, vector<1x256x128xi32>
    %swap3A_67 = vector.shape_cast %swap3A_66 : vector<1x256x128xi32> to vector<256x128xi32>
    %swap3A_68 = vector.shape_cast %or3A : vector<256x128xi32> to vector<1x256x128xi32>
    tpu.vector_store %arg12[%swap3A_63, %swap3A_64, %swap3A_65], %swap3A_68 {strides = array<i32>} : memref<1x256x256xi32, #tpu.memory_space<vmem>>, vector<1x256x128xi32>,
    %get3A_69 = arith.constant 0 : index
    %get3A_70 = arith.constant 0 : index
    %get3A_71 = arith.constant 0 : index
    %get3A_72 = vector.load %arg3[%get3A_69, %get3A_70, %get3A_71] : memref<1x256x128xf32, #tpu.memory_space<vmem>>, vector<1x256x128xf32>
    %get3A_73 = vector.shape_cast %get3A_72 : vector<1x256x128xf32> to vector<256x128xf32>
    %bitcast_convert_type3A_74 = tpu.bitcast %get3A_73 : vector<256x128xf32> -> vector<256x128xi32>
    %add3A_75 = arith.constant 32768 : i32
    %add3A_76 = vector.broadcast %add3A_75 : i32 to vector<256x128xi32>
    %add3A_77 = arith.addi %bitcast_convert_type3A_74, %add3A_76 : vector<256x128xi32>
    %shift_right_arithmetic3A_78 = arith.constant 16 : i32
    %shift_right_arithmetic3A_79 = vector.broadcast %shift_right_arithmetic3A_78 : i32 to vector<256x128xi32>
    %shift_right_arithmetic3A_80 = arith.shrsi %add3A_77, %shift_right_arithmetic3A_79 : vector<256x128xi32>
    %and3A_81 = arith.constant 65535 : i32
    %and3A_82 = vector.broadcast %and3A_81 : i32 to vector<256x128xi32>
    %and3A_83 = arith.andi %shift_right_arithmetic3A_80, %and3A_82 : vector<256x128xi32>
    %swap3A_84 = arith.constant 0 : index
    %swap3A_85 = arith.constant 0 : index
    %swap3A_86 = arith.constant 128 : index
    %swap3A_87 = vector.load %arg12[%swap3A_84, %swap3A_85, %swap3A_86] : memref<1x256x256xi32, #tpu.memory_space<vmem>>, vector<1x256x128xi32>
    %swap3A_88 = vector.shape_cast %swap3A_87 : vector<1x256x128xi32> to vector<256x128xi32>
    %swap3A_89 = vector.shape_cast %and3A_83 : vector<256x128xi32> to vector<1x256x128xi32>
    tpu.vector_store %arg12[%swap3A_84, %swap3A_85, %swap3A_86], %swap3A_89 {strides = array<i32>} : memref<1x256x256xi32, #tpu.memory_space<vmem>>, vector<1x256x128xi32>,
    return
  }
  func.func @transform_0(%arg0: i32, %arg1: i32) -> (i32, i32, i32) {
    %c0_i32 = arith.constant 0 : i32
    %c0_i32_0 = arith.constant 0 : i32
    return %arg0, %arg1, %c0_i32 : i32, i32, i32
  }
  func.func @transform_1(%arg0: i32, %arg1: i32) -> (i32, i32, i32) {
    %c0_i32 = arith.constant 0 : i32
    %c0_i32_0 = arith.constant 0 : i32
    return %arg0, %arg1, %c0_i32 : i32, i32, i32
  }
  func.func @transform_2(%arg0: i32, %arg1: i32) -> (i32, i32) {
    %c0_i32 = arith.constant 0 : i32
    %c0_i32_0 = arith.constant 0 : i32
    %c0_i32_1 = arith.constant 0 : i32
    return %c0_i32, %c0_i32_0 : i32, i32
  }
  func.func @transform_3(%arg0: i32, %arg1: i32) -> (i32, i32) {
    %c0_i32 = arith.constant 0 : i32
    %c0_i32_0 = arith.constant 0 : i32
    %c0_i32_1 = arith.constant 0 : i32
    return %c0_i32, %c0_i32_0 : i32, i32
  }
  func.func @transform_4(%arg0: i32, %arg1: i32) -> (i32, i32) {
    %c0_i32 = arith.constant 0 : i32
    %c0_i32_0 = arith.constant 0 : i32
    %c0_i32_1 = arith.constant 0 : i32
    return %c0_i32, %c0_i32_0 : i32, i32
  }
  func.func @transform_5(%arg0: i32, %arg1: i32) -> (i32, i32) {
    %c0_i32 = arith.constant 0 : i32
    %c0_i32_0 = arith.constant 0 : i32
    %c0_i32_1 = arith.constant 0 : i32
    return %c0_i32, %c0_i32_0 : i32, i32
  }
  func.func @transform_6(%arg0: i32, %arg1: i32) -> (i32, i32) {
    %c0_i32 = arith.constant 0 : i32
    %c0_i32_0 = arith.constant 0 : i32
    %c0_i32_1 = arith.constant 0 : i32
    return %c0_i32, %c0_i32_0 : i32, i32
  }
  func.func @transform_7(%arg0: i32, %arg1: i32) -> (i32, i32) {
    %c0_i32 = arith.constant 0 : i32
    %c0_i32_0 = arith.constant 0 : i32
    %c0_i32_1 = arith.constant 0 : i32
    return %c0_i32, %c0_i32_0 : i32, i32
  }
  func.func @transform_8(%arg0: i32, %arg1: i32) -> (i32, i32, i32) {
    %c0_i32 = arith.constant 0 : i32
    %c0_i32_0 = arith.constant 0 : i32
    return %arg0, %arg1, %c0_i32 : i32, i32, i32
  }
  func.func @transform_9(%arg0: i32, %arg1: i32) -> (i32, i32, i32) {
    %c0_i32 = arith.constant 0 : i32
    %c0_i32_0 = arith.constant 0 : i32
    return %arg0, %arg1, %c0_i32 : i32, i32, i32
  }
  func.func @transform_10(%arg0: i32, %arg1: i32) -> (i32, i32, i32) {
    %c0_i32 = arith.constant 0 : i32
    %c0_i32_0 = arith.constant 0 : i32
    return %arg0, %arg1, %c0_i32 : i32, i32, i32
  }
}

module attributes {stable_mosaic.version = 14 : i64} {
  func.func @_stage2_body(%arg0: i32, %arg1: i32, %arg2: memref<1x16x256x256xi32, #tpu.memory_space<vmem>>, %arg3: memref<1x256x128xf32, #tpu.memory_space<vmem>>, %arg4: memref<1x256x256xf32, #tpu.memory_space<vmem>>, %arg5: memref<1x256x256xf32, #tpu.memory_space<vmem>>, %arg6: memref<256x128xf32, #tpu.memory_space<vmem>>, %arg7: memref<1x256xf32, #tpu.memory_space<vmem>>, %arg8: memref<256x256xf32, #tpu.memory_space<vmem>>, %arg9: memref<1x256xf32, #tpu.memory_space<vmem>>, %arg10: memref<256x256xf32, #tpu.memory_space<vmem>>, %arg11: memref<1x256xf32, #tpu.memory_space<vmem>>, %arg12: memref<256x256xf32, #tpu.memory_space<vmem>>, %arg13: memref<1x256xf32, #tpu.memory_space<vmem>>, %arg14: memref<1x256x256xf32, #tpu.memory_space<vmem>>) attributes {dimension_semantics = [#tpu.dimension_semantics<parallel>, #tpu.dimension_semantics<parallel>], iteration_bounds = array<i64: 1, 16>, scalar_prefetch = 0 : i64, scratch_operands = 0 : i64, tpu.core_type = #tpu.core_type<tc>, window_params = [{transform_indices = @transform_0, window_bounds = array<i64: 1, 16, 256, 256>}, {transform_indices = @transform_1, window_bounds = array<i64: 1, 256, 128>}, {transform_indices = @transform_2, window_bounds = array<i64: 1, 256, 256>}, {transform_indices = @transform_3, window_bounds = array<i64: 1, 256, 256>}, {pipeline_mode = #tpu.pipeline_mode<synchronous>, transform_indices = @transform_4, window_bounds = array<i64: 256, 128>}, {pipeline_mode = #tpu.pipeline_mode<synchronous>, transform_indices = @transform_5, window_bounds = array<i64: 1, 256>}, {pipeline_mode = #tpu.pipeline_mode<synchronous>, transform_indices = @transform_6, window_bounds = array<i64: 256, 256>}, {pipeline_mode = #tpu.pipeline_mode<synchronous>, transform_indices = @transform_7, window_bounds = array<i64: 1, 256>}, {pipeline_mode = #tpu.pipeline_mode<synchronous>, transform_indices = @transform_8, window_bounds = array<i64: 256, 256>}, {pipeline_mode = #tpu.pipeline_mode<synchronous>, transform_indices = @transform_9, window_bounds = array<i64: 1, 256>}, {pipeline_mode = #tpu.pipeline_mode<synchronous>, transform_indices = @transform_10, window_bounds = array<i64: 256, 256>}, {pipeline_mode = #tpu.pipeline_mode<synchronous>, transform_indices = @transform_11, window_bounds = array<i64: 1, 256>}, {transform_indices = @transform_12, window_bounds = array<i64: 1, 256, 256>}]} {
    %get3A = arith.constant 0 : index
    %get3A_0 = arith.constant 0 : index
    %get3A_1 = arith.constant 0 : index
    %get3A_2 = arith.constant 0 : index
    %get3A_3 = vector.load %arg2[%get3A, %get3A_0, %get3A_1, %get3A_2] : memref<1x16x256x256xi32, #tpu.memory_space<vmem>>, vector<1x16x256x256xi32>
    %get3A_4 = vector.shape_cast %get3A_3 : vector<1x16x256x256xi32> to vector<16x256x256xi32>
    %slice3A = vector.extract_strided_slice %get3A_4 {offsets = [0, 0, 0], sizes = [16, 256, 128], strides = [1, 1, 1]} : vector<16x256x256xi32> to vector<16x256x128xi32>
    %shift_left3A = arith.constant 16 : i32
    %shift_left3A_5 = vector.broadcast %shift_left3A : i32 to vector<16x256x128xi32>
    %shift_left3A_6 = arith.shli %slice3A, %shift_left3A_5 : vector<16x256x128xi32>
    %bitcast_convert_type3A = tpu.bitcast %shift_left3A_6 : vector<16x256x128xi32> -> vector<16x256x128xf32>
    %and3A = arith.constant -65536 : i32
    %and3A_7 = vector.broadcast %and3A : i32 to vector<16x256x128xi32>
    %and3A_8 = arith.andi %slice3A, %and3A_7 : vector<16x256x128xi32>
    %bitcast_convert_type3A_9 = tpu.bitcast %and3A_8 : vector<16x256x128xi32> -> vector<16x256x128xf32>
    %concatenate3A = tpu.concatenate %bitcast_convert_type3A, %bitcast_convert_type3A_9 in 2 : vector<16x256x128xf32>, vector<16x256x128xf32> -> vector<16x256x256xf32>
    %slice3A_10 = vector.extract_strided_slice %get3A_4 {offsets = [0, 0, 128], sizes = [16, 256, 128], strides = [1, 1, 1]} : vector<16x256x256xi32> to vector<16x256x128xi32>
    %shift_left3A_11 = arith.constant 16 : i32
    %shift_left3A_12 = vector.broadcast %shift_left3A_11 : i32 to vector<16x256x128xi32>
    %shift_left3A_13 = arith.shli %slice3A_10, %shift_left3A_12 : vector<16x256x128xi32>
    %bitcast_convert_type3A_14 = tpu.bitcast %shift_left3A_13 : vector<16x256x128xi32> -> vector<16x256x128xf32>
    %get3A_15 = arith.constant 0 : index
    %get3A_16 = arith.constant 0 : index
    %get3A_17 = arith.constant 0 : index
    %get3A_18 = vector.load %arg3[%get3A_15, %get3A_16, %get3A_17] : memref<1x256x128xf32, #tpu.memory_space<vmem>>, vector<1x256x128xf32>
    %get3A_19 = vector.shape_cast %get3A_18 : vector<1x256x128xf32> to vector<256x128xf32>
    %broadcast_in_dim3A = vector.shape_cast %get3A_19 : vector<256x128xf32> to vector<1x256x128xf32>
    %sub3A = vector.broadcast %broadcast_in_dim3A : vector<1x256x128xf32> to vector<16x256x128xf32>
    %sub3A_20 = arith.subf %sub3A, %bitcast_convert_type3A_14 : vector<16x256x128xf32>
    %reshape3A = vector.shape_cast %sub3A_20 : vector<16x256x128xf32> to vector<4096x128xf32>
    %convert_element_type3A = arith.truncf %reshape3A : vector<4096x128xf32> to vector<4096x128xbf16>
    %get3A_21 = arith.constant 0 : index
    %get3A_22 = arith.constant 0 : index
    %get3A_23 = vector.load %arg6[%get3A_21, %get3A_22] : memref<256x128xf32, #tpu.memory_space<vmem>>, vector<256x128xf32>
    %convert_element_type3A_24 = arith.truncf %get3A_23 : vector<256x128xf32> to vector<256x128xbf16>
    %dot_general3A = arith.constant dense<0.000000e+00> : vector<4096x256xf32>
    %dot_general3A_25 = tpu.matmul %convert_element_type3A, %convert_element_type3A_24, %dot_general3A {dimension_numbers = #tpu.dot_dimension_numbers<[1], [1], [0], [0], [0, 0, 1, 0], [], []>, transpose_lhs_hint = false} : vector<4096x128xbf16>, vector<256x128xbf16>, vector<4096x256xf32> -> vector<4096x256xf32>
    %get3A_26 = arith.constant 0 : index
    %get3A_27 = arith.constant 0 : index
    %get3A_28 = vector.load %arg7[%get3A_26, %get3A_27] : memref<1x256xf32, #tpu.memory_space<vmem>>, vector<1x256xf32>
    %add3A = vector.broadcast %get3A_28 : vector<1x256xf32> to vector<4096x256xf32>
    %add3A_29 = arith.addf %dot_general3A_25, %add3A : vector<4096x256xf32>
    %max3A = arith.constant 0.000000e+00 : f32
    %max3A_30 = vector.broadcast %max3A : f32 to vector<4096x256xf32>
    %max3A_31 = arith.maximumf %add3A_29, %max3A_30 : vector<4096x256xf32>
    %convert_element_type3A_32 = arith.truncf %max3A_31 : vector<4096x256xf32> to vector<4096x256xbf16>
    %get3A_33 = arith.constant 0 : index
    %get3A_34 = arith.constant 0 : index
    %get3A_35 = vector.load %arg8[%get3A_33, %get3A_34] : memref<256x256xf32, #tpu.memory_space<vmem>>, vector<256x256xf32>
    %convert_element_type3A_36 = arith.truncf %get3A_35 : vector<256x256xf32> to vector<256x256xbf16>
    %dot_general3A_37 = arith.constant dense<0.000000e+00> : vector<4096x256xf32>
    %dot_general3A_38 = tpu.matmul %convert_element_type3A_32, %convert_element_type3A_36, %dot_general3A_37 {dimension_numbers = #tpu.dot_dimension_numbers<[1], [1], [0], [0], [0, 0, 1, 0], [], []>, transpose_lhs_hint = false} : vector<4096x256xbf16>, vector<256x256xbf16>, vector<4096x256xf32> -> vector<4096x256xf32>
    %get3A_39 = arith.constant 0 : index
    %get3A_40 = arith.constant 0 : index
    %get3A_41 = vector.load %arg9[%get3A_39, %get3A_40] : memref<1x256xf32, #tpu.memory_space<vmem>>, vector<1x256xf32>
    %add3A_42 = vector.broadcast %get3A_41 : vector<1x256xf32> to vector<4096x256xf32>
    %add3A_43 = arith.addf %dot_general3A_38, %add3A_42 : vector<4096x256xf32>
    %get3A_44 = arith.constant 0 : index
    %get3A_45 = arith.constant 0 : index
    %get3A_46 = arith.constant 0 : index
    %get3A_47 = vector.load %arg4[%get3A_44, %get3A_45, %get3A_46] : memref<1x256x256xf32, #tpu.memory_space<vmem>>, vector<1x256x256xf32>
    %get3A_48 = vector.shape_cast %get3A_47 : vector<1x256x256xf32> to vector<256x256xf32>
    %broadcast_in_dim3A_49 = vector.shape_cast %get3A_48 : vector<256x256xf32> to vector<1x256x256xf32>
    %sub3A_50 = vector.broadcast %broadcast_in_dim3A_49 : vector<1x256x256xf32> to vector<16x256x256xf32>
    %sub3A_51 = arith.subf %sub3A_50, %concatenate3A : vector<16x256x256xf32>
    %reshape3A_52 = vector.shape_cast %sub3A_51 : vector<16x256x256xf32> to vector<4096x256xf32>
    %add3A_53 = arith.addf %reshape3A_52, %add3A_43 : vector<4096x256xf32>
    %convert_element_type3A_54 = arith.truncf %add3A_53 : vector<4096x256xf32> to vector<4096x256xbf16>
    %get3A_55 = arith.constant 0 : index
    %get3A_56 = arith.constant 0 : index
    %get3A_57 = vector.load %arg10[%get3A_55, %get3A_56] : memref<256x256xf32, #tpu.memory_space<vmem>>, vector<256x256xf32>
    %convert_element_type3A_58 = arith.truncf %get3A_57 : vector<256x256xf32> to vector<256x256xbf16>
    %dot_general3A_59 = arith.constant dense<0.000000e+00> : vector<4096x256xf32>
    %dot_general3A_60 = tpu.matmul %convert_element_type3A_54, %convert_element_type3A_58, %dot_general3A_59 {dimension_numbers = #tpu.dot_dimension_numbers<[1], [1], [0], [0], [0, 0, 1, 0], [], []>, transpose_lhs_hint = false} : vector<4096x256xbf16>, vector<256x256xbf16>, vector<4096x256xf32> -> vector<4096x256xf32>
    %get3A_61 = arith.constant 0 : index
    %get3A_62 = arith.constant 0 : index
    %get3A_63 = vector.load %arg11[%get3A_61, %get3A_62] : memref<1x256xf32, #tpu.memory_space<vmem>>, vector<1x256xf32>
    %add3A_64 = vector.broadcast %get3A_63 : vector<1x256xf32> to vector<4096x256xf32>
    %add3A_65 = arith.addf %dot_general3A_60, %add3A_64 : vector<4096x256xf32>
    %max3A_66 = arith.constant 0.000000e+00 : f32
    %max3A_67 = vector.broadcast %max3A_66 : f32 to vector<4096x256xf32>
    %max3A_68 = arith.maximumf %add3A_65, %max3A_67 : vector<4096x256xf32>
    %convert_element_type3A_69 = arith.truncf %max3A_68 : vector<4096x256xf32> to vector<4096x256xbf16>
    %get3A_70 = arith.constant 0 : index
    %get3A_71 = arith.constant 0 : index
    %get3A_72 = vector.load %arg12[%get3A_70, %get3A_71] : memref<256x256xf32, #tpu.memory_space<vmem>>, vector<256x256xf32>
    %convert_element_type3A_73 = arith.truncf %get3A_72 : vector<256x256xf32> to vector<256x256xbf16>
    %dot_general3A_74 = arith.constant dense<0.000000e+00> : vector<4096x256xf32>
    %dot_general3A_75 = tpu.matmul %convert_element_type3A_69, %convert_element_type3A_73, %dot_general3A_74 {dimension_numbers = #tpu.dot_dimension_numbers<[1], [1], [0], [0], [0, 0, 1, 0], [], []>, transpose_lhs_hint = false} : vector<4096x256xbf16>, vector<256x256xbf16>, vector<4096x256xf32> -> vector<4096x256xf32>
    %get3A_76 = arith.constant 0 : index
    %get3A_77 = arith.constant 0 : index
    %get3A_78 = vector.load %arg13[%get3A_76, %get3A_77] : memref<1x256xf32, #tpu.memory_space<vmem>>, vector<1x256xf32>
    %add3A_79 = vector.broadcast %get3A_78 : vector<1x256xf32> to vector<4096x256xf32>
    %add3A_80 = arith.addf %dot_general3A_75, %add3A_79 : vector<4096x256xf32>
    %reshape3A_81 = vector.shape_cast %add3A_80 : vector<4096x256xf32> to vector<16x256x256xf32>
    %reshape3A_82 = vector.shape_cast %add3A_43 : vector<4096x256xf32> to vector<16x256x256xf32>
    %reduce_max3A = arith.constant dense<0xFF800000> : vector<256x256xf32>
    %reduce_max3A_83 = vector.multi_reduction <maximumf>, %reshape3A_81, %reduce_max3A [0] : vector<16x256x256xf32> to vector<256x256xf32>
    %broadcast_in_dim3A_84 = vector.shape_cast %reduce_max3A_83 : vector<256x256xf32> to vector<1x256x256xf32>
    %sub3A_85 = vector.broadcast %broadcast_in_dim3A_84 : vector<1x256x256xf32> to vector<16x256x256xf32>
    %sub3A_86 = arith.subf %reshape3A_81, %sub3A_85 : vector<16x256x256xf32>
    %exp3A = math.exp %sub3A_86 : vector<16x256x256xf32>
    %reduce_sum3A = arith.constant dense<0.000000e+00> : vector<256x256xf32>
    %reduce_sum3A_87 = vector.multi_reduction <add>, %exp3A, %reduce_sum3A [0] : vector<16x256x256xf32> to vector<256x256xf32>
    %mul3A = arith.mulf %exp3A, %reshape3A_82 : vector<16x256x256xf32>
    %reduce_sum3A_88 = arith.constant dense<0.000000e+00> : vector<256x256xf32>
    %reduce_sum3A_89 = vector.multi_reduction <add>, %mul3A, %reduce_sum3A_88 [0] : vector<16x256x256xf32> to vector<256x256xf32>
    %get3A_90 = arith.constant 0 : index
    %get3A_91 = arith.constant 0 : index
    %get3A_92 = arith.constant 0 : index
    %get3A_93 = vector.load %arg5[%get3A_90, %get3A_91, %get3A_92] : memref<1x256x256xf32, #tpu.memory_space<vmem>>, vector<1x256x256xf32>
    %get3A_94 = vector.shape_cast %get3A_93 : vector<1x256x256xf32> to vector<256x256xf32>
    %div3A = arith.divf %reduce_sum3A_89, %reduce_sum3A_87 : vector<256x256xf32>
    %add3A_95 = arith.addf %get3A_94, %div3A : vector<256x256xf32>
    %swap3A = arith.constant 0 : index
    %swap3A_96 = arith.constant 0 : index
    %swap3A_97 = arith.constant 0 : index
    %swap3A_98 = vector.load %arg14[%swap3A, %swap3A_96, %swap3A_97] : memref<1x256x256xf32, #tpu.memory_space<vmem>>, vector<1x256x256xf32>
    %swap3A_99 = vector.shape_cast %swap3A_98 : vector<1x256x256xf32> to vector<256x256xf32>
    %swap3A_100 = vector.shape_cast %add3A_95 : vector<256x256xf32> to vector<1x256x256xf32>
    tpu.vector_store %arg14[%swap3A, %swap3A_96, %swap3A_97], %swap3A_100 {strides = array<i32>} : memref<1x256x256xf32, #tpu.memory_space<vmem>>, vector<1x256x256xf32>,
    return
  }
  func.func @transform_0(%arg0: i32, %arg1: i32) -> (i32, i32, i32, i32) {
    %c0_i32 = arith.constant 0 : i32
    %c0_i32_0 = arith.constant 0 : i32
    %c0_i32_1 = arith.constant 0 : i32
    return %arg0, %c0_i32, %arg1, %c0_i32_0 : i32, i32, i32, i32
  }
  func.func @transform_1(%arg0: i32, %arg1: i32) -> (i32, i32, i32) {
    %c0_i32 = arith.constant 0 : i32
    %c0_i32_0 = arith.constant 0 : i32
    return %arg0, %arg1, %c0_i32 : i32, i32, i32
  }
  func.func @transform_2(%arg0: i32, %arg1: i32) -> (i32, i32, i32) {
    %c0_i32 = arith.constant 0 : i32
    %c0_i32_0 = arith.constant 0 : i32
    return %arg0, %arg1, %c0_i32 : i32, i32, i32
  }
  func.func @transform_3(%arg0: i32, %arg1: i32) -> (i32, i32, i32) {
    %c0_i32 = arith.constant 0 : i32
    %c0_i32_0 = arith.constant 0 : i32
    return %arg0, %arg1, %c0_i32 : i32, i32, i32
  }
  func.func @transform_4(%arg0: i32, %arg1: i32) -> (i32, i32) {
    %c0_i32 = arith.constant 0 : i32
    %c0_i32_0 = arith.constant 0 : i32
    %c0_i32_1 = arith.constant 0 : i32
    return %c0_i32, %c0_i32_0 : i32, i32
  }
  func.func @transform_5(%arg0: i32, %arg1: i32) -> (i32, i32) {
    %c0_i32 = arith.constant 0 : i32
    %c0_i32_0 = arith.constant 0 : i32
    %c0_i32_1 = arith.constant 0 : i32
    return %c0_i32, %c0_i32_0 : i32, i32
  }
  func.func @transform_6(%arg0: i32, %arg1: i32) -> (i32, i32) {
    %c0_i32 = arith.constant 0 : i32
    %c0_i32_0 = arith.constant 0 : i32
    %c0_i32_1 = arith.constant 0 : i32
    return %c0_i32, %c0_i32_0 : i32, i32
  }
  func.func @transform_7(%arg0: i32, %arg1: i32) -> (i32, i32) {
    %c0_i32 = arith.constant 0 : i32
    %c0_i32_0 = arith.constant 0 : i32
    %c0_i32_1 = arith.constant 0 : i32
    return %c0_i32, %c0_i32_0 : i32, i32
  }
  func.func @transform_8(%arg0: i32, %arg1: i32) -> (i32, i32) {
    %c0_i32 = arith.constant 0 : i32
    %c0_i32_0 = arith.constant 0 : i32
    %c0_i32_1 = arith.constant 0 : i32
    return %c0_i32, %c0_i32_0 : i32, i32
  }
  func.func @transform_9(%arg0: i32, %arg1: i32) -> (i32, i32) {
    %c0_i32 = arith.constant 0 : i32
    %c0_i32_0 = arith.constant 0 : i32
    %c0_i32_1 = arith.constant 0 : i32
    return %c0_i32, %c0_i32_0 : i32, i32
  }
  func.func @transform_10(%arg0: i32, %arg1: i32) -> (i32, i32) {
    %c0_i32 = arith.constant 0 : i32
    %c0_i32_0 = arith.constant 0 : i32
    %c0_i32_1 = arith.constant 0 : i32
    return %c0_i32, %c0_i32_0 : i32, i32
  }
  func.func @transform_11(%arg0: i32, %arg1: i32) -> (i32, i32) {
    %c0_i32 = arith.constant 0 : i32
    %c0_i32_0 = arith.constant 0 : i32
    %c0_i32_1 = arith.constant 0 : i32
    return %c0_i32, %c0_i32_0 : i32, i32
  }
  func.func @transform_12(%arg0: i32, %arg1: i32) -> (i32, i32, i32) {
    %c0_i32 = arith.constant 0 : i32
    %c0_i32_0 = arith.constant 0 : i32
    return %arg0, %arg1, %c0_i32 : i32, i32, i32
  }
}

</mosaic_0001>

<sc_bundles>
// kernel: kernel.10.cloned.1.call-start
scs
__scs_entry_jumppad:
0x0: {  	(pc) =	sbr.rel $0x88, $3  }
0x1: {  	(tag) =	ssettag $0x0;
	lr =	simm.s32 $0x1  }
0x2: {  	[smem:$0x3F91] =	sst lr;
	_ =	strace $0xD0000000  }
0x3: {  	_ = 	snop  }
0x4: {  	_ = 	snop  }
0x5: {  	_ = 	snop  }
0x6: {  	_ = 	snop  }
0x7: {  	_ = 	snop  }
__scs_overlays_trampoline_lowered:
0x8: {  	[smem:$0x3FA0] =	sst s0  }
0x9: {  	[smem:$0x3FA1] =	sst s1  }
0xa: {  	[smem:$0x3FA2] =	sst s2  }
0xb: {  	[smem:$0x3FA3] =	sst s3  }
0xc: {  	[smem:$0x3FA4] =	sst s4  }
0xd: {  	[smem:$0x3FA5] =	sst s5  }
0xe: {  	[smem:$0x3FA6] =	sst s6  }
0xf: {  	[smem:$0x3FA7] =	sst s7  }
0x10: {  	[smem:$0x3FA8] =	sst s8  }
0x11: {  	[smem:$0x3FA9] =	sst s9;
	s0 =	simm.s32 @!p0 $0x0  }
0x12: {  	s1 =	sld [smem:$0x3F8F];
	s0 =	simm.s32 @p0 $0x1  }
0x13: {  	[smem:$0x3FAA] =	sst s0;
	s0 =	simm.s32 @!p1 $0x0  }
0x14: {  	s2 =	sld [smem:$0x3F8E];
	s0 =	simm.s32 @p1 $0x1  }
0x15: {  	[smem:$0x3FAB] =	sst s0;
	s0 =	simm.s32 @!p2 $0x0  }
0x16: {  	s3 =	sld [smem:$0x3FDB];
	s0 =	simm.s32 @p2 $0x1  }
0x17: {  	s4 =	simm.s32 $0x1BF5;
	[smem:$0x3FAD] =	sst s0  }
0x18: {  	s0 =	sld [smem:$0x3F90];
	_ =	swait.ge [sflag:s4], $0x0  }
0x19: {  	s7 =	sld [smem:$0x3F91]  }
0x1a: {  	s8 =	sadd.s32 $0xFFFFE003, lr  }
0x1b: {  	s9 =	sadd.s32 $0xFFFFFEF7, lr;
	s5 =	simm.s32 $0xFFFFFFFF;
	p2 =	slt.u32 s8, $0xFFFFF086  }
0x1c: {  	p1 =	slt.u32 s9, $0xF7A;
	s5 =	simm.s32 @!p2 $0x0  }
0x1d: {  	s5 =	simm.s32 @p1 $0x1;
	p0 =	seq.s32 s7, s2  }
0x1e: {  	s7 =	smul.u32 @!p0 $0xF7A, s2;
	p2 =	seq.s32 @!p0 s5, $0x0  }
0x1f: {  	s9 =	smul.u32 $0xF7A, s1;
	s8 =	simm.s32 @!p0 $0x1BF5;
	p2 =	por !p2, p0  }
0x20: {  	[sflag:s8] =	ssyncset.s32 @!p0 $0xFFFFF086;
	s6 =	sadd.s32 @!p0 s3, s7;
	s7 =	simm.s32 @!p0 $0x108  }
0x21: {  	s3 =	sadd.s32 s3, s9;
	s6 =	sadd.s32 @!p0 $0x88, s6;
	s7 =	simm.s32 @p2 $0x1082  }
0x22: {  	[simem:s7], [sflag:s8] =	dma.local @!p0 [hbm:s6], $0xF7A  }
0x23: {  	s9 =	sor.u32 $0xD0000000, s2;
	s6 =	simm.s32 $0x108;
	_ =	swait.ge @!p0 [sflag:s8], $0x0  }
0x24: {  	s3 =	sadd.s32 $0x88, s3;
	s6 =	simm.s32 @!p1 $0x1082;
	[sflag:s4] =	ssyncset.s32 $0xFFFFF086  }
0x25: {  	[simem:s6], [sflag:s4] =	dma.local [hbm:s3], $0xF7A  }
0x26: {  	[smem:$0x3F91] =	sst s1;
	(tag) =	ssettag s2;
	_ =	strace s9  }
0x27: {  	s1 =	sld [smem:$0x3FA1]  }
0x28: {  	s2 =	sld [smem:$0x3FA2]  }
0x29: {  	s4 =	sld [smem:$0x3FA4]  }
0x2a: {  	p0 =	seq.s32 s5, $0x0;
	s5 =	sld [smem:$0x3FA5]  }
0x2b: {  	s6 =	sld [smem:$0x3FA6]  }
0x2c: {  	s7 =	sld [smem:$0x3FA7]  }
0x2d: {  	s3 =	simm.s32 $0x108;
	s8 =	sld [smem:$0x3FA8]  }
0x2e: {  	s3 =	simm.s32 @!p0 $0x1082;
	s9 =	sld [smem:$0x3FA9]  }
0x2f: {  	lr =	sadd.s32 s0, s3;
	s0 =	sld [smem:$0x3FA0]  }
0x30: {  	s3 =	sld [smem:$0x3FA3]  }
0x31: {  	[smem:$0x3FAC] =	sst s10  }
0x32: {  	s10 =	sld [smem:$0x3FAA];
	_ =	sdelay $0x3  }
0x33: {  	p0 =	seq.s32 s10, $0x1;
	s10 =	sld [smem:$0x3FAC];
	_ =	sdelay $0x3  }
0x34: {  	[smem:$0x3FAC] =	sst s10  }
0x35: {  	s10 =	sld [smem:$0x3FAB];
	_ =	sdelay $0x3  }
0x36: {  	p1 =	seq.s32 s10, $0x1;
	s10 =	sld [smem:$0x3FAC];
	_ =	sdelay $0x3  }
0x37: {  	[smem:$0x3FAC] =	sst s10  }
0x38: {  	s10 =	sld [smem:$0x3FAD]  }
0x39: {  	_ = 	snop;
	(pc) =	sbr.ind lr, $3  }
0x3a: {  	_ = 	snop  }
0x3b: {  	_ = 	snop  }
0x3c: {  	p2 =	seq.s32 s10, $0x1;
	s10 =	sld [smem:$0x3FAC]  }
0x3d: {  	_ =	shalt  }
0x3e: {  	_ =	shalt  }
0x3f: {  	_ =	shalt  }
0x40: {  	_ =	shalt  }
0x41: {  	_ =	shalt  }
0x42: {  	_ =	shalt  }
0x43: {  	_ =	shalt  }
0x44: {  	_ =	shalt  }
0x45: {  	_ =	shalt  }
0x46: {  	_ =	shalt  }
0x47: {  	_ =	shalt  }
0x48: {  	_ =	shalt  }
0x49: {  	_ =	shalt  }
0x4a: {  	_ =	shalt  }
0x4b: {  	_ =	shalt  }
0x4c: {  	_ =	shalt  }
0x4d: {  	_ =	shalt  }
0x4e: {  	_ =	shalt  }
0x4f: {  	_ =	shalt  }
0x50: {  	_ =	shalt  }
0x51: {  	_ =	shalt  }
0x52: {  	_ =	shalt  }
0x53: {  	_ =	shalt  }
0x54: {  	_ =	shalt  }
0x55: {  	_ =	shalt  }
0x56: {  	_ =	shalt  }
0x57: {  	_ =	shalt  }
0x58: {  	_ =	shalt  }
0x59: {  	_ =	shalt  }
0x5a: {  	_ =	shalt  }
0x5b: {  	_ =	shalt  }
0x5c: {  	_ =	shalt  }
0x5d: {  	_ =	shalt  }
0x5e: {  	_ =	shalt  }
0x5f: {  	_ =	shalt  }
0x60: {  	_ =	shalt  }
0x61: {  	_ =	shalt  }
0x62: {  	_ =	shalt  }
0x63: {  	_ =	shalt  }
0x64: {  	_ =	shalt  }
0x65: {  	_ =	shalt  }
0x66: {  	_ =	shalt  }
0x67: {  	_ =	shalt  }
0x68: {  	_ =	shalt  }
0x69: {  	_ =	shalt  }
0x6a: {  	_ =	shalt  }
0x6b: {  	_ =	shalt  }
0x6c: {  	_ =	shalt  }
0x6d: {  	_ =	shalt  }
0x6e: {  	_ =	shalt  }
0x6f: {  	_ =	shalt  }
0x70: {  	_ =	shalt  }
0x71: {  	_ =	shalt  }
0x72: {  	_ =	shalt  }
0x73: {  	_ =	shalt  }
0x74: {  	_ =	shalt  }
0x75: {  	_ =	shalt  }
0x76: {  	_ =	shalt  }
0x77: {  	_ =	shalt  }
0x78: {  	_ =	shalt  }
0x79: {  	_ =	shalt  }
0x7a: {  	_ =	shalt  }
0x7b: {  	_ =	shalt  }
0x7c: {  	_ =	shalt  }
0x7d: {  	_ =	shalt  }
0x7e: {  	_ =	shalt  }
0x7f: {  	_ =	shalt  }
0x80: {  	_ =	shalt  }
0x81: {  	_ =	shalt  }
0x82: {  	_ =	shalt  }
0x83: {  	_ =	shalt  }
0x84: {  	_ =	shalt  }
0x85: {  	_ =	shalt  }
0x86: {  	_ =	shalt  }
0x87: {  	_ =	shalt  }
.Lfunc_end0:
.L_simem_size_0:
called_computation_lowered:
.L_overlay_start_0:
0x88: {  	s2 =	sld [smem:$0x3FD9]  }
0x89: {  	s3 =	sld [smem:$0x3FFE];
	_ =	sdelay $0x1  }
0x8a: {  	s1 =	srdreg.scid  }
0x8b: {  	s0 =	sand.u32 $0x1, s1  }
0x8c: {  	s16 =	sshll.u32 s0, $0xA;
	s2 =	sadd.s32 s3, s2  }
0x8d: {  	s2 =	sadd.s32 s2, s16  }
0x8e: {  	[smem:$0x3FB8] =	sst s2  }
0x8f: {  	_ = 	snop  }
0x90: {  	(tm) =	ssettm $0x1  }
0x91: {  	s17 =	sld [smem:$0x3FFB];
	_ =	sdelay $0x3  }
0x92: {  	_ =	strace s17  }
0x93: {  	s2 =	sld [smem:$0x3FFC];
	_ =	sdelay $0x3  }
0x94: {  	_ =	strace s2  }
0x95: {  	s2 =	sld [smem:$0x3FFD];
	_ =	sdelay $0x3  }
0x96: {  	_ =	strace s2  }
0x97: {  	_ =	strace $0x8FFFFFFF  }
0x98: {  	s18 =	sld [smem:$0x3FDB];
	_ =	sdelay $0x1  }
0x99: {  	s19 =	simm.s32 $_scs_section_size  }
0x9a: {  	s4 =	simm.s32 $_size__tile_overlayer_lowered;
	s5 =	simm.s32 $_tile_overlayer_lowered  }
0x9b: {  	s22 =	simm.s32 $0x1BFF;
	s21 =	sshll.u32 s5, $0x1;
	s2 =	sadd.s32 s19, s18  }
0x9c: {  	s6 =	simm.s32 $0x0;
	s20 =	sshll.u32 s4, $0x1;
	s4 =	sadd.s32 s21, s2  }
0x9d: {  	[timem:s6], [sflag:s22] =	dma.local [hbm:s4], s20  }
0x9e: {  	_ =	swait.ge [sflag:s22], s20  }
0x9f: {  	s3 =	ssub.s32 $0x0, s20;
	[sflag:s22] =	ssyncset.done $0x0  }
0xa0: {  	[sflag:s22] =	ssyncadd.s32 s3;
	_ =	sdelay $0x1  }
0xa1: {  	s23 =	simm.s32 $0x1B8B  }
0xa2: {  	_ =	swait.ge [sflag:s23], $0x1  }
0xa3: {  	[sflag:s23] =	ssyncset.done $0x0  }
0xa4: {  	s25 =	simm.s32 $0x1B8E;
	s24 =	sld [smem:$0x3FFE];
	[sflag:s23] =	ssyncadd.s32 $0xFFFFFFFF  }
0xa5: {  	s26 =	simm.s32 $execute0_lowered;
	[smem:$0x3FD2] =	sst s25  }
0xa6: {  	s4 =	sshll.u32 s26, $0x1;
	_ =	strace $0x80000046;
	[dreg:$0x1] =	wrdreg $0xFFFFFFFF  }
0xa7: {  	s28 =	simm.s32 $_size_execute0_lowered;
	s2 =	sadd.s32 s2, s4;
	[dreg:$0x0] =	wrdreg $0x0  }
0xa8: {  	s4 =	sshll.u32 s28, $0x1;
	[dreg:$0x2] =	wrdreg s2  }
0xa9: {  	[dreg:$0x3] =	wrdreg s4  }
0xaa: {  	[dreg:$0x4] =	wrdreg $0xC0  }
0xab: {  	_ =	task [dreg:s6], $0x5FFFF  }
0xac: {  	[dreg:$0x1] =	wrdreg $0xFFFFFFFF  }
0xad: {  	[dreg:$0x0] =	wrdreg $0x60  }
0xae: {  	[dreg:$0x2] =	wrdreg s24  }
0xaf: {  	[dreg:$0x3] =	wrdreg $0x9  }
0xb0: {  	_ =	task.clear_ibuf [dreg:s6], $0x4FFFF;
	_ =	strace $0x90000046  }
0xb1: {  	s29 =	simm.s32 $0x9;
	_ =	strace $0x8000004F  }
0xb2: {  	_ =	swait.ge [sflag:s29], $0x1  }
0xb3: {  	[sflag:s29] =	ssyncadd.s32 $0xFFFFFFFF  }
0xb4: {  	_ =	strace $0x9000004F  }
0xb5: {  	_ =	sfence  }
0xb6: {  	s30 =	sld [smem:$0x0];
	_ =	sdelay $0x2  }
0xb7: {  	s31 =	sshll.u32 s1, $0xD;
	s1 =	sshrl.u32 s1, $0x2  }
0xb8: {  	s3 =	sand.u32 $0x4000, s31;
	s1 =	sadd.s32 s1, s30  }
0xb9: {  	s0 =	sor.u32 s3, s0;
	s1 =	sshll.u32 s1, $0x11  }
0xba: {  	s0 =	sor.u32 s1, s0  }
0xbb: {  	s0 =	sadd.s32 $0x8F2B, s0  }
0xbc: {  	[sflag:s0] =	ssyncadd.remote.s32 $0x1  }
0xbd: {  	_ =	sfence.sel $0xFFFF  }
0xbe: {  	[dreg:$0x0] =	wrdreg $0xFFFFFFFF;
	(pc) =	sbr.abs _section_cstart, $3  }
0xbf: {  	[dreg:$0x1] =	wrdreg $0xFFFFFFFF  }
0xc0: {  	_ =	task.clear_ibuf [dreg:s6], $0x2FFFF;
	_ =	strace $0x9FFFFFFF  }
0xc1: {  	(tm) =	ssettm $0x7FFFFFFF  }
tec
execute0_lowered:
.L_overlay_start_1:
0x0: {  	(tag) =	ssettag $0x1  }
0x1: {  	s5 =	rddreg [dreg:$0x0]  }
0x2: {  	s0 =	rddreg [dreg:$0x1];
	s1 =	simm.s32 $0x0  }
0x3: {  	s2 =	srdreg.scid;
	s9 =	simm.s32 $0x4;
	s10 =	simm.s32 $0x0  }
0x4: {  	[smem:$0x7FF] =	sst s1;
	s3 =	sadd.s32 $0x16200, s5;
	s4 =	sadd.s32 $0x14200, s5  }
0x5: {  	s6 =	sand.u32 $0x1, s2;
	s2 =	stileid.u32;
	s5 =	sadd.s32 $0x76200, s5  }
0x6: {  	_ =	strace $0x80000047;
	s7 =	ssub.s32 $0x2, s6;
	s6 =	sshll.u32 s6, $0x4  }
0x7: {  	v2 =	vlaneseq.u32;
	[dreg:$0x2] =	wrdreg s5;
	s8 =	sshrl.u32 s7, $0x1;
	s6 =	sor.u32 s2, s6  }
0x8: {  	vm0 =	vmmov $0xffff;
	v1 =	vshrl.u32 v2, $0x3;
	s7 =	ssub.s32 s7, s8;
	s31 =	sshll.u32 s6, $0x8;
	s5 =	sshll.u32 s6, $0x4  }
0x9: {  	v0 =	vand.u32 $0x7, v2;
	v2 =	vor.u32 $0x8, v2;
	v1 =	vmul.u32 $0x8, v1;
	s8 =	simm.s32 $0x5;
	s6 =	sadd.s32 s4, s31;
	s7 =	smax.u32 s7, $0x1  }
.LBB2_1:
0xa: {  	_ =	strace $0x80000048;
	s11 =	simm.s32 $0x10  }
0xb: {  	s12 =	simm.s32 $0x0;
	s13 =	simm.s32 $0x0;
	s14 =	simm.s32 $0x0  }
0xc: {  	[tilespmem:s1], [sflag:$0x1] =	stream.linear.gather [hbm4b:s6+s1], $0x80, $0x200038;
	[tilespmem:$0x10100] =	vst v63  }
0xd: {  	s15 =	simm.s32 $0x0;
	s16 =	simm.s32 $0x1;
	_ =	strace $0x90000048  }
.LBB2_2:
0xe: {  	s17 =	smov.u32 s12;
	s12 =	sadd.s32 $0x1, s12  }
0xf: {  	p0 =	seq.s32 s12, $0x10  }
0x10: {  	s12 =	simm.s32 @p0 $0x0  }
0x11: {  	p6 =	sne.s32 s11, $0x1;
	p1 =	sne.s32 s17, s12  }
0x12: {  	p0 =	por !p6, !p1  }
0x13: {  	p0 =	por !p0, !p0  }
0x14: {  	s18 =	sadd.s32 @p0 s5, s12  }
0x15: {  	s19 =	sand.u32 @p0 $0x1, s16;
	s18 =	sshll.u32 @p0 s18, $0x4  }
0x16: {  	_ =	strace @p0 $0x80000049;
	s21 =	simm.s32 @p0 $0x0;
	s18 =	sand.u32 @p0 $0x1FFFFFF0, s18  }
0x17: {  	s20 =	sshll.u32 @p0 s19, $0x7;
	s19 =	sadd.s32 @p0 $0x1, s19;
	s18 =	sadd.s32 @p0 s4, s18  }
0x18: {  	[tilespmem:s20], [sflag:s19] =	stream.linear.gather @p0 [hbm4b:s18+s21], $0x80, $0x200038;
	[tilespmem:$0x10100] =	vst v63  }
0x19: {  	s24 =	sand.u32 $0x1, s15;
	_ =	strace @p0 $0x90000049  }
0x1a: {  	s18 =	sadd.s32 $0x1, s24;
	_ =	strace $0x8000004A  }
0x1b: {  	_ =	swait.ge [sflag:s18], $0x80  }
0x1c: {  	[sflag:s18] =	ssyncset.done $0x0  }
0x1d: {  	[sflag:s18] =	ssyncadd.s32 $0xFFFFFF80  }
0x1e: {  	s25 =	sshll.u32 s15, $0x7;
	_ =	strace $0x9000004A  }
0x1f: {  	s21 =	sand.u32 $0x80, s25;
	_ =	strace $0x8000004B  }
0x20: {  	v3 =	vld [tilespmem:s21+$0x0];
	_ =	sdelay $0x4  }
0x21: {  	v4 =	vshll.u32 v3, $0x1  }
0x22: {  	v3 =	vand.u32 $0x7, v3;
	v4 =	vand.u32 $0xFFFFFFF0, v4  }
0x23: {  	v3 =	vor.u32 v3, v4  }
0x24: {  	v4 =	vperm.xlane v3, v0;
	_ =	sdelay $0x1  }
0x25: {  	v3 =	vperm.xlane v3, v2;
	v4 =	vadd.s32 v1, v4;
	_ =	sdelay $0x1  }
0x26: {  	s18 =	sand.u32 $0x1, s14;
	v3 =	vadd.s32 v1, v3  }
0x27: {  	s20 =	sshll.u32 s18, $0xF  }
0x28: {  	s19 =	sor.u32 $0x100, s20  }
0x29: {  	[tilespmem:s19], [sflag:$0x5] =	stream.indirect_vreg.gather [hbm4b:s3+s1], $0x80, v4, vm0, $0x2000b8;
	[tilespmem:$0x10100] =	vst v63  }
0x2a: {  	s22 =	sor.u32 $0x900, s20  }
0x2b: {  	[tilespmem:s22], [sflag:$0x5] =	stream.indirect_vreg.gather [hbm4b:s3+s1], $0x80, v3, vm0, $0x2000b8;
	[tilespmem:$0x10100] =	vst v63  }
0x2c: {  	v3 =	vld [tilespmem:s21+$0x10];
	_ =	sdelay $0x4  }
0x2d: {  	v57 =	vshll.u32 v3, $0x1  }
0x2e: {  	v3 =	vand.u32 $0x7, v3;
	v4 =	vand.u32 $0xFFFFFFF0, v57  }
0x2f: {  	v3 =	vor.u32 v3, v4  }
0x30: {  	v4 =	vperm.xlane v3, v0;
	_ =	sdelay $0x1  }
0x31: {  	v3 =	vperm.xlane v3, v2;
	v4 =	vadd.s32 v1, v4;
	_ =	sdelay $0x1  }
0x32: {  	v3 =	vadd.s32 v1, v3;
	_ =	sdelay $0x1  }
0x33: {  	s26 =	sor.u32 $0x1100, s20  }
0x34: {  	[tilespmem:s26], [sflag:$0x5] =	stream.indirect_vreg.gather [hbm4b:s3+s1], $0x80, v4, vm0, $0x2000b8;
	[tilespmem:$0x10100] =	vst v63  }
0x35: {  	s28 =	sor.u32 $0x1900, s20  }
0x36: {  	[tilespmem:s28], [sflag:$0x5] =	stream.indirect_vreg.gather [hbm4b:s3+s1], $0x80, v3, vm0, $0x2000b8;
	[tilespmem:$0x10100] =	vst v63  }
0x37: {  	v3 =	vld [tilespmem:s21+$0x20];
	_ =	sdelay $0x4  }
0x38: {  	v58 =	vshll.u32 v3, $0x1  }
0x39: {  	v3 =	vand.u32 $0x7, v3;
	v4 =	vand.u32 $0xFFFFFFF0, v58  }
0x3a: {  	v3 =	vor.u32 v3, v4  }
0x3b: {  	v4 =	vperm.xlane v3, v0;
	_ =	sdelay $0x1  }
0x3c: {  	v3 =	vperm.xlane v3, v2;
	v4 =	vadd.s32 v1, v4;
	_ =	sdelay $0x1  }
0x3d: {  	v3 =	vadd.s32 v1, v3;
	_ =	sdelay $0x1  }
0x3e: {  	s29 =	sor.u32 $0x2100, s20  }
0x3f: {  	[tilespmem:s29], [sflag:$0x5] =	stream.indirect_vreg.gather [hbm4b:s3+s1], $0x80, v4, vm0, $0x2000b8;
	[tilespmem:$0x10100] =	vst v63  }
0x40: {  	s30 =	sor.u32 $0x2900, s20  }
0x41: {  	[tilespmem:s30], [sflag:$0x5] =	stream.indirect_vreg.gather [hbm4b:s3+s1], $0x80, v3, vm0, $0x2000b8;
	[tilespmem:$0x10100] =	vst v63  }
0x42: {  	v3 =	vld [tilespmem:s21+$0x30];
	_ =	sdelay $0x4  }
0x43: {  	v59 =	vshll.u32 v3, $0x1  }
0x44: {  	v3 =	vand.u32 $0x7, v3;
	v4 =	vand.u32 $0xFFFFFFF0, v59  }
0x45: {  	v3 =	vor.u32 v3, v4  }
0x46: {  	v4 =	vperm.xlane v3, v0;
	_ =	sdelay $0x1  }
0x47: {  	v3 =	vperm.xlane v3, v2;
	v4 =	vadd.s32 v1, v4;
	_ =	sdelay $0x1  }
0x48: {  	v3 =	vadd.s32 v1, v3;
	_ =	sdelay $0x1  }
0x49: {  	s31 =	sor.u32 $0x3100, s20  }
0x4a: {  	[tilespmem:s31], [sflag:$0x5] =	stream.indirect_vreg.gather [hbm4b:s3+s1], $0x80, v4, vm0, $0x2000b8;
	[tilespmem:$0x10100] =	vst v63  }
0x4b: {  	s23 =	sor.u32 $0x3900, s20  }
0x4c: {  	[tilespmem:s23], [sflag:$0x5] =	stream.indirect_vreg.gather [hbm4b:s3+s1], $0x80, v3, vm0, $0x2000b8;
	[tilespmem:$0x10100] =	vst v63  }
0x4d: {  	v3 =	vld [tilespmem:s21+$0x40];
	_ =	sdelay $0x4  }
0x4e: {  	v60 =	vshll.u32 v3, $0x1  }
0x4f: {  	v3 =	vand.u32 $0x7, v3;
	v4 =	vand.u32 $0xFFFFFFF0, v60  }
0x50: {  	v3 =	vor.u32 v3, v4  }
0x51: {  	v4 =	vperm.xlane v3, v0;
	_ =	sdelay $0x1  }
0x52: {  	v3 =	vperm.xlane v3, v2;
	v4 =	vadd.s32 v1, v4;
	_ =	sdelay $0x1  }
0x53: {  	v3 =	vadd.s32 v1, v3;
	_ =	sdelay $0x1  }
0x54: {  	s24 =	sor.u32 $0x4100, s20  }
0x55: {  	[tilespmem:s24], [sflag:$0x5] =	stream.indirect_vreg.gather [hbm4b:s3+s1], $0x80, v4, vm0, $0x2000b8;
	[tilespmem:$0x10100] =	vst v63  }
0x56: {  	s25 =	sor.u32 $0x4900, s20  }
0x57: {  	[tilespmem:s25], [sflag:$0x5] =	stream.indirect_vreg.gather [hbm4b:s3+s1], $0x80, v3, vm0, $0x2000b8;
	[tilespmem:$0x10100] =	vst v63  }
0x58: {  	v3 =	vld [tilespmem:s21+$0x50];
	_ =	sdelay $0x4  }
0x59: {  	v61 =	vshll.u32 v3, $0x1  }
0x5a: {  	v3 =	vand.u32 $0x7, v3;
	v4 =	vand.u32 $0xFFFFFFF0, v61  }
0x5b: {  	v3 =	vor.u32 v3, v4  }
0x5c: {  	v4 =	vperm.xlane v3, v0;
	_ =	sdelay $0x1  }
0x5d: {  	v3 =	vperm.xlane v3, v2;
	v4 =	vadd.s32 v1, v4;
	_ =	sdelay $0x1  }
0x5e: {  	v3 =	vadd.s32 v1, v3;
	_ =	sdelay $0x1  }
0x5f: {  	s26 =	sor.u32 $0x5100, s20  }
0x60: {  	[tilespmem:s26], [sflag:$0x5] =	stream.indirect_vreg.gather [hbm4b:s3+s1], $0x80, v4, vm0, $0x2000b8;
	[tilespmem:$0x10100] =	vst v63  }
0x61: {  	s28 =	sor.u32 $0x5900, s20  }
0x62: {  	[tilespmem:s28], [sflag:$0x5] =	stream.indirect_vreg.gather [hbm4b:s3+s1], $0x80, v3, vm0, $0x2000b8;
	[tilespmem:$0x10100] =	vst v63  }
0x63: {  	v3 =	vld [tilespmem:s21+$0x60];
	_ =	sdelay $0x4  }
0x64: {  	v62 =	vshll.u32 v3, $0x1  }
0x65: {  	v3 =	vand.u32 $0x7, v3;
	v4 =	vand.u32 $0xFFFFFFF0, v62  }
0x66: {  	v3 =	vor.u32 v3, v4  }
0x67: {  	v4 =	vperm.xlane v3, v0;
	_ =	sdelay $0x1  }
0x68: {  	v3 =	vperm.xlane v3, v2;
	v4 =	vadd.s32 v1, v4;
	_ =	sdelay $0x1  }
0x69: {  	v3 =	vadd.s32 v1, v3;
	_ =	sdelay $0x1  }
0x6a: {  	s29 =	sor.u32 $0x6100, s20  }
0x6b: {  	[tilespmem:s29], [sflag:$0x5] =	stream.indirect_vreg.gather [hbm4b:s3+s1], $0x80, v4, vm0, $0x2000b8;
	[tilespmem:$0x10100] =	vst v63  }
0x6c: {  	s30 =	sor.u32 $0x6900, s20  }
0x6d: {  	[tilespmem:s30], [sflag:$0x5] =	stream.indirect_vreg.gather [hbm4b:s3+s1], $0x80, v3, vm0, $0x2000b8;
	[tilespmem:$0x10100] =	vst v63  }
0x6e: {  	v3 =	vld [tilespmem:s21+$0x70];
	_ =	sdelay $0x4  }
0x6f: {  	v63 =	vshll.u32 v3, $0x1  }
0x70: {  	v3 =	vand.u32 $0x7, v3;
	v4 =	vand.u32 $0xFFFFFFF0, v63  }
0x71: {  	v3 =	vor.u32 v3, v4  }
0x72: {  	v4 =	vperm.xlane v3, v0;
	_ =	sdelay $0x1  }
0x73: {  	v3 =	vperm.xlane v3, v2;
	v4 =	vadd.s32 v1, v4;
	_ =	sdelay $0x1  }
0x74: {  	v3 =	vadd.s32 v1, v3;
	_ =	sdelay $0x1  }
0x75: {  	s31 =	sor.u32 $0x7100, s20  }
0x76: {  	[tilespmem:s31], [sflag:$0x5] =	stream.indirect_vreg.gather [hbm4b:s3+s1], $0x80, v4, vm0, $0x2000b8;
	[tilespmem:$0x10100] =	vst v63  }
0x77: {  	s20 =	sor.u32 $0x7900, s20  }
0x78: {  	[tilespmem:s20], [sflag:$0x5] =	stream.indirect_vreg.gather [hbm4b:s3+s1], $0x80, v3, vm0, $0x2000b8;
	[tilespmem:$0x10100] =	vst v63  }
0x79: {  	_ =	swait.ge [sflag:s8], $0x8000  }
0x7a: {  	p2 =	seq.s32 s11, $0x1;
	[sflag:s8] =	ssyncset.done $0x0  }
0x7b: {  	s17 =	sadd.s32 s5, s17;
	p1 =	por p2, p1;
	[sflag:s8] =	ssyncadd.s32 $0xFFFF8000  }
0x7c: {  	s17 =	sshll.u32 @p1 s17, $0xC;
	_ =	strace $0x9000004B  }
0x7d: {  	s17 =	sand.u32 @p1 $0x1FFFF000, s17;
	s21 =	simm.s32 $0x1;
	_ =	strace @p1 $0x8000004C  }
0x7e: {  	s18 =	sadd.s32 @p1 $0x3, s18;
	s21 =	simm.s32 @!p0 $0x0;
	s20 =	rddreg [dreg:$0x2]  }
0x7f: {  	p0 =	seq.s32 s11, $0x10;
	s17 =	sadd.s32 @p1 s20, s17;
	s20 =	simm.s32 @p1 $0x0  }
0x80: {  	[hbm4b:s17+s20] =	stream.linear.scatter @p1 [tilespmem:s19], [sflag:s18], $0x8000, $0x200038;
	[tilespmem:$0x10100] =	vst v63  }
0x81: {  	s17 =	simm.s32 $0x1;
	s19 =	simm.s32 $0x1;
	_ =	strace @p1 $0x9000004C  }
0x82: {  	s17 =	simm.s32 @!p1 $0x0;
	p1 =	sne.s32 s11, $0x10;
	s11 =	sadd.s32 $0xFFFFFFFF, s11  }
0x83: {  	s18 =	sand.u32 @!p0 $0x1, s13;
	s19 =	simm.s32 @!p1 $0x0;
	p1 =	sne.s32 s11, $0x0  }
.Ltmp0:
0x84: {  	s18 =	sadd.s32 @!p0 $0x3, s18;
	_ =	strace @!p0 $0x8000004D;
	(pc) =	sbr.rel @p1 .LBB2_2-.Ltmp0, $4  }
0x85: {  	_ =	swait.ge @!p0 [sflag:s18], $0x8000  }
0x86: {  	[sflag:s18] =	ssyncset.done @!p0 $0x0  }
0x87: {  	s16 =	sadd.s32 s21, s16;
	s14 =	sadd.s32 s17, s14;
	[sflag:s18] =	ssyncadd.s32 @!p0 $0xFFFF8000  }
0x88: {  	s15 =	sadd.s32 s17, s15;
	s13 =	sadd.s32 s19, s13;
	_ =	strace @!p0 $0x9000004D  }
0x89: {  	s10 =	sadd.s32 $0x1, s10  }
0x8a: {  	p0 =	sne.s32 s10, s7  }
.Ltmp1:
0x8b: {  	_ =	strace $0x8000004E;
	(pc) =	sbr.rel @p0 .LBB2_1-.Ltmp1, $4  }
0x8c: {  	_ =	swait.ge [sflag:s9], $0x8000  }
0x8d: {  	[sflag:s9] =	ssyncset.done $0x0  }
0x8e: {  	[sflag:s9] =	ssyncadd.s32 $0xFFFF8000  }
0x8f: {  	_ =	strace $0x9000004E  }
0x90: {  	_ =	sfence.sel $0x180000  }
0x91: {  	[bflag:$0x0] =	sbarrier.arrive $0xFFFF  }
0x92: {  	p0 =	sne.s32 s2, $0x0;
	_ =	strace $0x90000047  }
0x93: {  	s0 =	sadd.s32 @!p0 $0x100000, s0;
	[bflag:$0x2] =	sbarrier.arrive $0xFFFF  }
0x94: {  	[sflag:s0] =	ssyncadd.tile.s32 @!p0 $0x1;
	_ =	shalt  }
.Lfunc_end2:
_tile_overlayer_lowered:
.L_overlay_start_2:
0x95: {  	(tag) =	ssettag $0x2  }
0x96: {  	s0 =	rddreg [dreg:$0x0];
	s2 =	stileid.u32  }
0x97: {  	s1 =	rddreg [dreg:$0x1];
	p0 =	sne.s32 s2, $0x0  }
0x98: {  	s3 =	rddreg [dreg:$0x2];
	[bflag:$0x3] =	sbarrier.arrive $0xFFFF;
	s2 =	simm.s32 @!p0 $0x1C01  }
0x99: {  	[timem:s3], [sflag:s2] =	dma.local @!p0 [hbm:s0], s1  }
0x9a: {  	s0 =	simm.s32 @!p0 $0x1  }
0x9b: {  	_ =	swait.ge @!p0 [sflag:s0], s1  }
0x9c: {  	s1 =	ssub.s32 @!p0 $0x0, s1;
	[sflag:s0] =	ssyncset.done @!p0 $0x0  }
0x9d: {  	[sflag:s0] =	ssyncadd.s32 @!p0 s1  }
0x9e: {  	[bflag:$0x3] =	sbarrier.arrive $0xFFFF  }
0x9f: {  	_ =	shalt  }

// kernel: kernel.13.cloned.1.call-start
scs
__scs_entry_jumppad:
0x0: {  	(pc) =	sbr.rel $0x88, $3  }
0x1: {  	(tag) =	ssettag $0x0;
	lr =	simm.s32 $0x1  }
0x2: {  	[smem:$0x3F91] =	sst lr;
	_ =	strace $0xD0000000  }
0x3: {  	_ = 	snop  }
0x4: {  	_ = 	snop  }
0x5: {  	_ = 	snop  }
0x6: {  	_ = 	snop  }
0x7: {  	_ = 	snop  }
__scs_overlays_trampoline_lowered:
0x8: {  	[smem:$0x3FA0] =	sst s0  }
0x9: {  	[smem:$0x3FA1] =	sst s1  }
0xa: {  	[smem:$0x3FA2] =	sst s2  }
0xb: {  	[smem:$0x3FA3] =	sst s3  }
0xc: {  	[smem:$0x3FA4] =	sst s4  }
0xd: {  	[smem:$0x3FA5] =	sst s5  }
0xe: {  	[smem:$0x3FA6] =	sst s6  }
0xf: {  	[smem:$0x3FA7] =	sst s7  }
0x10: {  	[smem:$0x3FA8] =	sst s8  }
0x11: {  	[smem:$0x3FA9] =	sst s9;
	s0 =	simm.s32 @!p0 $0x0  }
0x12: {  	s1 =	sld [smem:$0x3F8F];
	s0 =	simm.s32 @p0 $0x1  }
0x13: {  	[smem:$0x3FAA] =	sst s0;
	s0 =	simm.s32 @!p1 $0x0  }
0x14: {  	s2 =	sld [smem:$0x3F8E];
	s0 =	simm.s32 @p1 $0x1  }
0x15: {  	[smem:$0x3FAB] =	sst s0;
	s0 =	simm.s32 @!p2 $0x0  }
0x16: {  	s3 =	sld [smem:$0x3FDB];
	s0 =	simm.s32 @p2 $0x1  }
0x17: {  	s4 =	simm.s32 $0x1BF5;
	[smem:$0x3FAD] =	sst s0  }
0x18: {  	s0 =	sld [smem:$0x3F90];
	_ =	swait.ge [sflag:s4], $0x0  }
0x19: {  	s7 =	sld [smem:$0x3F91]  }
0x1a: {  	s8 =	sadd.s32 $0xFFFFE003, lr  }
0x1b: {  	s9 =	sadd.s32 $0xFFFFFEF7, lr;
	s5 =	simm.s32 $0xFFFFFFFF;
	p2 =	slt.u32 s8, $0xFFFFF086  }
0x1c: {  	p1 =	slt.u32 s9, $0xF7A;
	s5 =	simm.s32 @!p2 $0x0  }
0x1d: {  	s5 =	simm.s32 @p1 $0x1;
	p0 =	seq.s32 s7, s2  }
0x1e: {  	s7 =	smul.u32 @!p0 $0xF7A, s2;
	p2 =	seq.s32 @!p0 s5, $0x0  }
0x1f: {  	s9 =	smul.u32 $0xF7A, s1;
	s8 =	simm.s32 @!p0 $0x1BF5;
	p2 =	por !p2, p0  }
0x20: {  	[sflag:s8] =	ssyncset.s32 @!p0 $0xFFFFF086;
	s6 =	sadd.s32 @!p0 s3, s7;
	s7 =	simm.s32 @!p0 $0x108  }
0x21: {  	s3 =	sadd.s32 s3, s9;
	s6 =	sadd.s32 @!p0 $0x88, s6;
	s7 =	simm.s32 @p2 $0x1082  }
0x22: {  	[simem:s7], [sflag:s8] =	dma.local @!p0 [hbm:s6], $0xF7A  }
0x23: {  	s9 =	sor.u32 $0xD0000000, s2;
	s6 =	simm.s32 $0x108;
	_ =	swait.ge @!p0 [sflag:s8], $0x0  }
0x24: {  	s3 =	sadd.s32 $0x88, s3;
	s6 =	simm.s32 @!p1 $0x1082;
	[sflag:s4] =	ssyncset.s32 $0xFFFFF086  }
0x25: {  	[simem:s6], [sflag:s4] =	dma.local [hbm:s3], $0xF7A  }
0x26: {  	[smem:$0x3F91] =	sst s1;
	(tag) =	ssettag s2;
	_ =	strace s9  }
0x27: {  	s1 =	sld [smem:$0x3FA1]  }
0x28: {  	s2 =	sld [smem:$0x3FA2]  }
0x29: {  	s4 =	sld [smem:$0x3FA4]  }
0x2a: {  	p0 =	seq.s32 s5, $0x0;
	s5 =	sld [smem:$0x3FA5]  }
0x2b: {  	s6 =	sld [smem:$0x3FA6]  }
0x2c: {  	s7 =	sld [smem:$0x3FA7]  }
0x2d: {  	s3 =	simm.s32 $0x108;
	s8 =	sld [smem:$0x3FA8]  }
0x2e: {  	s3 =	simm.s32 @!p0 $0x1082;
	s9 =	sld [smem:$0x3FA9]  }
0x2f: {  	lr =	sadd.s32 s0, s3;
	s0 =	sld [smem:$0x3FA0]  }
0x30: {  	s3 =	sld [smem:$0x3FA3]  }
0x31: {  	[smem:$0x3FAC] =	sst s10  }
0x32: {  	s10 =	sld [smem:$0x3FAA];
	_ =	sdelay $0x3  }
0x33: {  	p0 =	seq.s32 s10, $0x1;
	s10 =	sld [smem:$0x3FAC];
	_ =	sdelay $0x3  }
0x34: {  	[smem:$0x3FAC] =	sst s10  }
0x35: {  	s10 =	sld [smem:$0x3FAB];
	_ =	sdelay $0x3  }
0x36: {  	p1 =	seq.s32 s10, $0x1;
	s10 =	sld [smem:$0x3FAC];
	_ =	sdelay $0x3  }
0x37: {  	[smem:$0x3FAC] =	sst s10  }
0x38: {  	s10 =	sld [smem:$0x3FAD]  }
0x39: {  	_ = 	snop;
	(pc) =	sbr.ind lr, $3  }
0x3a: {  	_ = 	snop  }
0x3b: {  	_ = 	snop  }
0x3c: {  	p2 =	seq.s32 s10, $0x1;
	s10 =	sld [smem:$0x3FAC]  }
0x3d: {  	_ =	shalt  }
0x3e: {  	_ =	shalt  }
0x3f: {  	_ =	shalt  }
0x40: {  	_ =	shalt  }
0x41: {  	_ =	shalt  }
0x42: {  	_ =	shalt  }
0x43: {  	_ =	shalt  }
0x44: {  	_ =	shalt  }
0x45: {  	_ =	shalt  }
0x46: {  	_ =	shalt  }
0x47: {  	_ =	shalt  }
0x48: {  	_ =	shalt  }
0x49: {  	_ =	shalt  }
0x4a: {  	_ =	shalt  }
0x4b: {  	_ =	shalt  }
0x4c: {  	_ =	shalt  }
0x4d: {  	_ =	shalt  }
0x4e: {  	_ =	shalt  }
0x4f: {  	_ =	shalt  }
0x50: {  	_ =	shalt  }
0x51: {  	_ =	shalt  }
0x52: {  	_ =	shalt  }
0x53: {  	_ =	shalt  }
0x54: {  	_ =	shalt  }
0x55: {  	_ =	shalt  }
0x56: {  	_ =	shalt  }
0x57: {  	_ =	shalt  }
0x58: {  	_ =	shalt  }
0x59: {  	_ =	shalt  }
0x5a: {  	_ =	shalt  }
0x5b: {  	_ =	shalt  }
0x5c: {  	_ =	shalt  }
0x5d: {  	_ =	shalt  }
0x5e: {  	_ =	shalt  }
0x5f: {  	_ =	shalt  }
0x60: {  	_ =	shalt  }
0x61: {  	_ =	shalt  }
0x62: {  	_ =	shalt  }
0x63: {  	_ =	shalt  }
0x64: {  	_ =	shalt  }
0x65: {  	_ =	shalt  }
0x66: {  	_ =	shalt  }
0x67: {  	_ =	shalt  }
0x68: {  	_ =	shalt  }
0x69: {  	_ =	shalt  }
0x6a: {  	_ =	shalt  }
0x6b: {  	_ =	shalt  }
0x6c: {  	_ =	shalt  }
0x6d: {  	_ =	shalt  }
0x6e: {  	_ =	shalt  }
0x6f: {  	_ =	shalt  }
0x70: {  	_ =	shalt  }
0x71: {  	_ =	shalt  }
0x72: {  	_ =	shalt  }
0x73: {  	_ =	shalt  }
0x74: {  	_ =	shalt  }
0x75: {  	_ =	shalt  }
0x76: {  	_ =	shalt  }
0x77: {  	_ =	shalt  }
0x78: {  	_ =	shalt  }
0x79: {  	_ =	shalt  }
0x7a: {  	_ =	shalt  }
0x7b: {  	_ =	shalt  }
0x7c: {  	_ =	shalt  }
0x7d: {  	_ =	shalt  }
0x7e: {  	_ =	shalt  }
0x7f: {  	_ =	shalt  }
0x80: {  	_ =	shalt  }
0x81: {  	_ =	shalt  }
0x82: {  	_ =	shalt  }
0x83: {  	_ =	shalt  }
0x84: {  	_ =	shalt  }
0x85: {  	_ =	shalt  }
0x86: {  	_ =	shalt  }
0x87: {  	_ =	shalt  }
.Lfunc_end0:
.L_simem_size_0:
called_computation.1_lowered:
.L_overlay_start_0:
0x88: {  	s2 =	sld [smem:$0x3FD9]  }
0x89: {  	s3 =	sld [smem:$0x3FFE];
	_ =	sdelay $0x1  }
0x8a: {  	s1 =	srdreg.scid  }
0x8b: {  	s0 =	sand.u32 $0x1, s1  }
0x8c: {  	s17 =	sshll.u32 s0, $0xA;
	s2 =	sadd.s32 s3, s2  }
0x8d: {  	s2 =	sadd.s32 s2, s17  }
0x8e: {  	[smem:$0x3FB8] =	sst s2  }
0x8f: {  	_ = 	snop  }
0x90: {  	s18 =	sld [smem:$0x3FD0];
	(tm) =	ssettm $0x1  }
0x91: {  	s19 =	sld [smem:$0x3FFB];
	_ =	sdelay $0x3  }
0x92: {  	_ =	strace s19  }
0x93: {  	s2 =	sld [smem:$0x3FFC];
	_ =	sdelay $0x3  }
0x94: {  	_ =	strace s2  }
0x95: {  	s2 =	sld [smem:$0x3FFD];
	_ =	sdelay $0x3  }
0x96: {  	_ =	strace s2  }
0x97: {  	_ =	strace $0x8FFFFFFF  }
0x98: {  	s20 =	sld [smem:$0x3FDB];
	_ =	sdelay $0x1  }
0x99: {  	s4 =	simm.s32 $_scs_section_size  }
0x9a: {  	s5 =	simm.s32 $_size__tile_overlayer_lowered;
	s6 =	simm.s32 $_tile_overlayer_lowered  }
0x9b: {  	s7 =	simm.s32 $0x1BFF;
	s21 =	sshll.u32 s6, $0x1;
	s4 =	sadd.s32 s4, s20  }
0x9c: {  	s22 =	simm.s32 $0x0;
	s5 =	sshll.u32 s5, $0x1;
	s6 =	sadd.s32 s21, s4  }
0x9d: {  	[timem:s22], [sflag:s7] =	dma.local [hbm:s6], s5  }
0x9e: {  	_ =	swait.ge [sflag:s7], s5  }
0x9f: {  	s5 =	ssub.s32 $0x0, s5;
	[sflag:s7] =	ssyncset.done $0x0  }
0xa0: {  	[sflag:s7] =	ssyncadd.s32 s5;
	_ =	sdelay $0x1  }
0xa1: {  	s23 =	simm.s32 $0x1B8B  }
0xa2: {  	_ =	swait.ge [sflag:s23], $0x1  }
0xa3: {  	[sflag:s23] =	ssyncset.done $0x0  }
0xa4: {  	[sflag:s23] =	ssyncadd.s32 $0xFFFFFFFF  }
0xa5: {  	s5 =	sld [smem:$0x0]  }
0xa6: {  	s6 =	sand.u32 $0xFFFFFFFE, s1  }
0xa7: {  	p0 =	sne.s32 s1, s6  }
0xa8: {  	s6 =	sshll.u32 @p0 s6, $0xE  }
0xa9: {  	s6 =	sadd.s32 @p0 $0x11B8D, s6;
	s7 =	sshll.u32 @p0 s5, $0x11  }
0xaa: {  	s6 =	sor.u32 @p0 s7, s6  }
0xab: {  	[sflag:s6] =	ssyncadd.remote.s32 @p0 $0x1;
	_ =	sdelay $0x1  }
0xac: {  	s6 =	simm.s32 @p0 $0x1B8D  }
0xad: {  	_ =	swait.eq @p0 [sflag:s6], $0x1  }
0xae: {  	[sflag:s6] =	ssyncadd.s32 @p0 $0xFFFFFFFF  }
0xaf: {  	s7 =	sshll.u32 @!p0 s1, $0xE  }
0xb0: {  	s7 =	sor.u32 @!p0 $0x4000, s7;
	s6 =	simm.s32 @!p0 $0x1B8D  }
0xb1: {  	s5 =	sshll.u32 @!p0 s5, $0x11;
	s7 =	sadd.s32 @!p0 $0x11B8D, s7;
	_ =	swait.eq @!p0 [sflag:s6], $0x1  }
0xb2: {  	s5 =	sor.u32 @!p0 s5, s7;
	[sflag:s6] =	ssyncadd.s32 @!p0 $0xFFFFFFFF  }
0xb3: {  	s25 =	simm.s32 $0x1B8E;
	s24 =	sld [smem:$0x3FFE];
	[sflag:s5] =	ssyncadd.remote.s32 @!p0 $0x1  }
0xb4: {  	s26 =	simm.s32 $execute0_lowered;
	[smem:$0x3FD2] =	sst s25  }
0xb5: {  	s6 =	sshll.u32 s26, $0x1;
	_ =	strace $0x80000050;
	[dreg:$0x1] =	wrdreg $0xFFFFFFFF  }
0xb6: {  	s28 =	simm.s32 $_size_execute0_lowered;
	s4 =	sadd.s32 s4, s6;
	[dreg:$0x0] =	wrdreg $0x0  }
0xb7: {  	s6 =	sshll.u32 s28, $0x1;
	[dreg:$0x2] =	wrdreg s4  }
0xb8: {  	[dreg:$0x3] =	wrdreg s6  }
0xb9: {  	[dreg:$0x4] =	wrdreg $0xC0  }
0xba: {  	_ =	task [dreg:s22], $0x5FFFF  }
0xbb: {  	[dreg:$0x1] =	wrdreg $0xFFFFFFFF  }
0xbc: {  	[dreg:$0x0] =	wrdreg $0x60  }
0xbd: {  	[dreg:$0x2] =	wrdreg s18  }
0xbe: {  	[dreg:$0x3] =	wrdreg s24  }
0xbf: {  	[dreg:$0x4] =	wrdreg $0xA  }
0xc0: {  	_ =	task.clear_ibuf [dreg:s22], $0x5FFFF;
	_ =	strace $0x90000050  }
0xc1: {  	s29 =	simm.s32 $0xA;
	_ =	strace $0x80000059  }
0xc2: {  	_ =	swait.ge [sflag:s29], $0x1  }
0xc3: {  	[sflag:s29] =	ssyncadd.s32 $0xFFFFFFFF  }
0xc4: {  	_ =	strace $0x90000059  }
0xc5: {  	_ =	sfence  }
0xc6: {  	s30 =	sld [smem:$0x0];
	_ =	sdelay $0x2  }
0xc7: {  	s31 =	sshll.u32 s1, $0xD;
	s1 =	sshrl.u32 s1, $0x2  }
0xc8: {  	s4 =	sand.u32 $0x4000, s31;
	s1 =	sadd.s32 s1, s30  }
0xc9: {  	s0 =	sor.u32 s4, s0;
	s1 =	sshll.u32 s1, $0x11  }
0xca: {  	s0 =	sor.u32 s1, s0  }
0xcb: {  	s0 =	sadd.s32 $0x8F2B, s0  }
0xcc: {  	[sflag:s0] =	ssyncadd.remote.s32 $0x1  }
0xcd: {  	_ =	sfence.sel $0xFFFF  }
0xce: {  	[dreg:$0x0] =	wrdreg $0xFFFFFFFF;
	(pc) =	sbr.abs _section_cstart, $3  }
0xcf: {  	[dreg:$0x1] =	wrdreg $0xFFFFFFFF  }
0xd0: {  	_ =	task.clear_ibuf [dreg:s22], $0x2FFFF;
	_ =	strace $0x9FFFFFFF  }
0xd1: {  	(tm) =	ssettm $0x7FFFFFFF  }
tec
execute0_lowered:
.L_overlay_start_1:
0x0: {  	(tag) =	ssettag $0x1  }
0x1: {  	s1 =	rddreg [dreg:$0x0]  }
0x2: {  	s5 =	rddreg [dreg:$0x1]  }
0x3: {  	s0 =	rddreg [dreg:$0x2]  }
0x4: {  	s2 =	simm.s32 $0x0;
	s3 =	srdreg.scid;
	s9 =	simm.s32 $0x4  }
0x5: {  	s10 =	simm.s32 $0x0;
	[smem:$0x7FF] =	sst s2;
	s4 =	sadd.s32 $0x296200, s5  }
0x6: {  	s6 =	sand.u32 $0x1, s3;
	s3 =	stileid.u32;
	s5 =	sadd.s32 $0x298200, s5  }
0x7: {  	_ =	strace $0x80000051;
	s7 =	ssub.s32 $0x2, s6;
	s6 =	sshll.u32 s6, $0x4  }
0x8: {  	v2 =	vlaneseq.u32;
	[dreg:$0x3] =	wrdreg s5;
	s8 =	sshrl.u32 s7, $0x1;
	s6 =	sor.u32 s3, s6  }
0x9: {  	vm0 =	vmmov $0xffff;
	v1 =	vshrl.u32 v2, $0x3;
	s7 =	ssub.s32 s7, s8;
	s31 =	sshll.u32 s6, $0x8;
	s5 =	sshll.u32 s6, $0x4  }
0xa: {  	v0 =	vand.u32 $0x7, v2;
	v2 =	vor.u32 $0x8, v2;
	v1 =	vmul.u32 $0x8, v1;
	s8 =	simm.s32 $0x5;
	s6 =	sadd.s32 s4, s31;
	s7 =	smax.u32 s7, $0x1  }
.LBB2_1:
0xb: {  	_ =	strace $0x80000052;
	s11 =	simm.s32 $0x10  }
0xc: {  	s12 =	simm.s32 $0x0;
	s13 =	simm.s32 $0x0;
	s14 =	simm.s32 $0x0  }
0xd: {  	[tilespmem:s2], [sflag:$0x1] =	stream.linear.gather [hbm4b:s6+s2], $0x80, $0x200038;
	[tilespmem:$0x10100] =	vst v63  }
0xe: {  	s15 =	simm.s32 $0x0;
	s16 =	simm.s32 $0x1;
	_ =	strace $0x90000052  }
.LBB2_2:
0xf: {  	s17 =	smov.u32 s12;
	s12 =	sadd.s32 $0x1, s12  }
0x10: {  	p0 =	seq.s32 s12, $0x10  }
0x11: {  	s12 =	simm.s32 @p0 $0x0  }
0x12: {  	p6 =	sne.s32 s11, $0x1;
	p1 =	sne.s32 s17, s12  }
0x13: {  	p0 =	por !p6, !p1  }
0x14: {  	p0 =	por !p0, !p0  }
0x15: {  	s18 =	sadd.s32 @p0 s5, s12  }
0x16: {  	s19 =	sand.u32 @p0 $0x1, s16;
	s18 =	sshll.u32 @p0 s18, $0x4  }
0x17: {  	_ =	strace @p0 $0x80000053;
	s21 =	simm.s32 @p0 $0x0;
	s18 =	sand.u32 @p0 $0x1FFFFFF0, s18  }
0x18: {  	s20 =	sshll.u32 @p0 s19, $0x7;
	s19 =	sadd.s32 @p0 $0x1, s19;
	s18 =	sadd.s32 @p0 s4, s18  }
0x19: {  	[tilespmem:s20], [sflag:s19] =	stream.linear.gather @p0 [hbm4b:s18+s21], $0x80, $0x200038;
	[tilespmem:$0x10100] =	vst v63  }
0x1a: {  	s24 =	sand.u32 $0x1, s15;
	_ =	strace @p0 $0x90000053  }
0x1b: {  	s18 =	sadd.s32 $0x1, s24;
	_ =	strace $0x80000054  }
0x1c: {  	_ =	swait.ge [sflag:s18], $0x80  }
0x1d: {  	[sflag:s18] =	ssyncset.done $0x0  }
0x1e: {  	[sflag:s18] =	ssyncadd.s32 $0xFFFFFF80  }
0x1f: {  	s25 =	sshll.u32 s15, $0x7;
	_ =	strace $0x90000054  }
0x20: {  	s21 =	sand.u32 $0x80, s25;
	_ =	strace $0x80000055  }
0x21: {  	v3 =	vld [tilespmem:s21+$0x0];
	_ =	sdelay $0x4  }
0x22: {  	v4 =	vshll.u32 v3, $0x1  }
0x23: {  	v3 =	vand.u32 $0x7, v3;
	v4 =	vand.u32 $0xFFFFFFF0, v4  }
0x24: {  	v3 =	vor.u32 v3, v4  }
0x25: {  	v4 =	vperm.xlane v3, v0;
	_ =	sdelay $0x1  }
0x26: {  	v3 =	vperm.xlane v3, v2;
	v4 =	vadd.s32 v1, v4;
	_ =	sdelay $0x1  }
0x27: {  	s18 =	sand.u32 $0x1, s14;
	v3 =	vadd.s32 v1, v3  }
0x28: {  	s20 =	sshll.u32 s18, $0xF  }
0x29: {  	s19 =	sor.u32 $0x100, s20  }
0x2a: {  	[tilespmem:s19], [sflag:$0x5] =	stream.indirect_vreg.gather [hbm4b:s1+s2], $0x80, v4, vm0, $0x2000b8;
	[tilespmem:$0x10100] =	vst v63  }
0x2b: {  	s22 =	sor.u32 $0x900, s20  }
0x2c: {  	[tilespmem:s22], [sflag:$0x5] =	stream.indirect_vreg.gather [hbm4b:s1+s2], $0x80, v3, vm0, $0x2000b8;
	[tilespmem:$0x10100] =	vst v63  }
0x2d: {  	v3 =	vld [tilespmem:s21+$0x10];
	_ =	sdelay $0x4  }
0x2e: {  	v57 =	vshll.u32 v3, $0x1  }
0x2f: {  	v3 =	vand.u32 $0x7, v3;
	v4 =	vand.u32 $0xFFFFFFF0, v57  }
0x30: {  	v3 =	vor.u32 v3, v4  }
0x31: {  	v4 =	vperm.xlane v3, v0;
	_ =	sdelay $0x1  }
0x32: {  	v3 =	vperm.xlane v3, v2;
	v4 =	vadd.s32 v1, v4;
	_ =	sdelay $0x1  }
0x33: {  	v3 =	vadd.s32 v1, v3;
	_ =	sdelay $0x1  }
0x34: {  	s26 =	sor.u32 $0x1100, s20  }
0x35: {  	[tilespmem:s26], [sflag:$0x5] =	stream.indirect_vreg.gather [hbm4b:s1+s2], $0x80, v4, vm0, $0x2000b8;
	[tilespmem:$0x10100] =	vst v63  }
0x36: {  	s28 =	sor.u32 $0x1900, s20  }
0x37: {  	[tilespmem:s28], [sflag:$0x5] =	stream.indirect_vreg.gather [hbm4b:s1+s2], $0x80, v3, vm0, $0x2000b8;
	[tilespmem:$0x10100] =	vst v63  }
0x38: {  	v3 =	vld [tilespmem:s21+$0x20];
	_ =	sdelay $0x4  }
0x39: {  	v58 =	vshll.u32 v3, $0x1  }
0x3a: {  	v3 =	vand.u32 $0x7, v3;
	v4 =	vand.u32 $0xFFFFFFF0, v58  }
0x3b: {  	v3 =	vor.u32 v3, v4  }
0x3c: {  	v4 =	vperm.xlane v3, v0;
	_ =	sdelay $0x1  }
0x3d: {  	v3 =	vperm.xlane v3, v2;
	v4 =	vadd.s32 v1, v4;
	_ =	sdelay $0x1  }
0x3e: {  	v3 =	vadd.s32 v1, v3;
	_ =	sdelay $0x1  }
0x3f: {  	s29 =	sor.u32 $0x2100, s20  }
0x40: {  	[tilespmem:s29], [sflag:$0x5] =	stream.indirect_vreg.gather [hbm4b:s1+s2], $0x80, v4, vm0, $0x2000b8;
	[tilespmem:$0x10100] =	vst v63  }
0x41: {  	s30 =	sor.u32 $0x2900, s20  }
0x42: {  	[tilespmem:s30], [sflag:$0x5] =	stream.indirect_vreg.gather [hbm4b:s1+s2], $0x80, v3, vm0, $0x2000b8;
	[tilespmem:$0x10100] =	vst v63  }
0x43: {  	v3 =	vld [tilespmem:s21+$0x30];
	_ =	sdelay $0x4  }
0x44: {  	v59 =	vshll.u32 v3, $0x1  }
0x45: {  	v3 =	vand.u32 $0x7, v3;
	v4 =	vand.u32 $0xFFFFFFF0, v59  }
0x46: {  	v3 =	vor.u32 v3, v4  }
0x47: {  	v4 =	vperm.xlane v3, v0;
	_ =	sdelay $0x1  }
0x48: {  	v3 =	vperm.xlane v3, v2;
	v4 =	vadd.s32 v1, v4;
	_ =	sdelay $0x1  }
0x49: {  	v3 =	vadd.s32 v1, v3;
	_ =	sdelay $0x1  }
0x4a: {  	s31 =	sor.u32 $0x3100, s20  }
0x4b: {  	[tilespmem:s31], [sflag:$0x5] =	stream.indirect_vreg.gather [hbm4b:s1+s2], $0x80, v4, vm0, $0x2000b8;
	[tilespmem:$0x10100] =	vst v63  }
0x4c: {  	s23 =	sor.u32 $0x3900, s20  }
0x4d: {  	[tilespmem:s23], [sflag:$0x5] =	stream.indirect_vreg.gather [hbm4b:s1+s2], $0x80, v3, vm0, $0x2000b8;
	[tilespmem:$0x10100] =	vst v63  }
0x4e: {  	v3 =	vld [tilespmem:s21+$0x40];
	_ =	sdelay $0x4  }
0x4f: {  	v60 =	vshll.u32 v3, $0x1  }
0x50: {  	v3 =	vand.u32 $0x7, v3;
	v4 =	vand.u32 $0xFFFFFFF0, v60  }
0x51: {  	v3 =	vor.u32 v3, v4  }
0x52: {  	v4 =	vperm.xlane v3, v0;
	_ =	sdelay $0x1  }
0x53: {  	v3 =	vperm.xlane v3, v2;
	v4 =	vadd.s32 v1, v4;
	_ =	sdelay $0x1  }
0x54: {  	v3 =	vadd.s32 v1, v3;
	_ =	sdelay $0x1  }
0x55: {  	s24 =	sor.u32 $0x4100, s20  }
0x56: {  	[tilespmem:s24], [sflag:$0x5] =	stream.indirect_vreg.gather [hbm4b:s1+s2], $0x80, v4, vm0, $0x2000b8;
	[tilespmem:$0x10100] =	vst v63  }
0x57: {  	s25 =	sor.u32 $0x4900, s20  }
0x58: {  	[tilespmem:s25], [sflag:$0x5] =	stream.indirect_vreg.gather [hbm4b:s1+s2], $0x80, v3, vm0, $0x2000b8;
	[tilespmem:$0x10100] =	vst v63  }
0x59: {  	v3 =	vld [tilespmem:s21+$0x50];
	_ =	sdelay $0x4  }
0x5a: {  	v61 =	vshll.u32 v3, $0x1  }
0x5b: {  	v3 =	vand.u32 $0x7, v3;
	v4 =	vand.u32 $0xFFFFFFF0, v61  }
0x5c: {  	v3 =	vor.u32 v3, v4  }
0x5d: {  	v4 =	vperm.xlane v3, v0;
	_ =	sdelay $0x1  }
0x5e: {  	v3 =	vperm.xlane v3, v2;
	v4 =	vadd.s32 v1, v4;
	_ =	sdelay $0x1  }
0x5f: {  	v3 =	vadd.s32 v1, v3;
	_ =	sdelay $0x1  }
0x60: {  	s26 =	sor.u32 $0x5100, s20  }
0x61: {  	[tilespmem:s26], [sflag:$0x5] =	stream.indirect_vreg.gather [hbm4b:s1+s2], $0x80, v4, vm0, $0x2000b8;
	[tilespmem:$0x10100] =	vst v63  }
0x62: {  	s28 =	sor.u32 $0x5900, s20  }
0x63: {  	[tilespmem:s28], [sflag:$0x5] =	stream.indirect_vreg.gather [hbm4b:s1+s2], $0x80, v3, vm0, $0x2000b8;
	[tilespmem:$0x10100] =	vst v63  }
0x64: {  	v3 =	vld [tilespmem:s21+$0x60];
	_ =	sdelay $0x4  }
0x65: {  	v62 =	vshll.u32 v3, $0x1  }
0x66: {  	v3 =	vand.u32 $0x7, v3;
	v4 =	vand.u32 $0xFFFFFFF0, v62  }
0x67: {  	v3 =	vor.u32 v3, v4  }
0x68: {  	v4 =	vperm.xlane v3, v0;
	_ =	sdelay $0x1  }
0x69: {  	v3 =	vperm.xlane v3, v2;
	v4 =	vadd.s32 v1, v4;
	_ =	sdelay $0x1  }
0x6a: {  	v3 =	vadd.s32 v1, v3;
	_ =	sdelay $0x1  }
0x6b: {  	s29 =	sor.u32 $0x6100, s20  }
0x6c: {  	[tilespmem:s29], [sflag:$0x5] =	stream.indirect_vreg.gather [hbm4b:s1+s2], $0x80, v4, vm0, $0x2000b8;
	[tilespmem:$0x10100] =	vst v63  }
0x6d: {  	s30 =	sor.u32 $0x6900, s20  }
0x6e: {  	[tilespmem:s30], [sflag:$0x5] =	stream.indirect_vreg.gather [hbm4b:s1+s2], $0x80, v3, vm0, $0x2000b8;
	[tilespmem:$0x10100] =	vst v63  }
0x6f: {  	v3 =	vld [tilespmem:s21+$0x70];
	_ =	sdelay $0x4  }
0x70: {  	v63 =	vshll.u32 v3, $0x1  }
0x71: {  	v3 =	vand.u32 $0x7, v3;
	v4 =	vand.u32 $0xFFFFFFF0, v63  }
0x72: {  	v3 =	vor.u32 v3, v4  }
0x73: {  	v4 =	vperm.xlane v3, v0;
	_ =	sdelay $0x1  }
0x74: {  	v3 =	vperm.xlane v3, v2;
	v4 =	vadd.s32 v1, v4;
	_ =	sdelay $0x1  }
0x75: {  	v3 =	vadd.s32 v1, v3;
	_ =	sdelay $0x1  }
0x76: {  	s31 =	sor.u32 $0x7100, s20  }
0x77: {  	[tilespmem:s31], [sflag:$0x5] =	stream.indirect_vreg.gather [hbm4b:s1+s2], $0x80, v4, vm0, $0x2000b8;
	[tilespmem:$0x10100] =	vst v63  }
0x78: {  	s20 =	sor.u32 $0x7900, s20  }
0x79: {  	[tilespmem:s20], [sflag:$0x5] =	stream.indirect_vreg.gather [hbm4b:s1+s2], $0x80, v3, vm0, $0x2000b8;
	[tilespmem:$0x10100] =	vst v63  }
0x7a: {  	_ =	swait.ge [sflag:s8], $0x8000  }
0x7b: {  	p2 =	seq.s32 s11, $0x1;
	[sflag:s8] =	ssyncset.done $0x0  }
0x7c: {  	s17 =	sadd.s32 s5, s17;
	p1 =	por p2, p1;
	[sflag:s8] =	ssyncadd.s32 $0xFFFF8000  }
0x7d: {  	s17 =	sshll.u32 @p1 s17, $0xC;
	_ =	strace $0x90000055  }
0x7e: {  	s17 =	sand.u32 @p1 $0x1FFFF000, s17;
	s21 =	simm.s32 $0x1;
	_ =	strace @p1 $0x80000056  }
0x7f: {  	s18 =	sadd.s32 @p1 $0x3, s18;
	s21 =	simm.s32 @!p0 $0x0;
	s20 =	rddreg [dreg:$0x3]  }
0x80: {  	p0 =	seq.s32 s11, $0x10;
	s17 =	sadd.s32 @p1 s20, s17;
	s20 =	simm.s32 @p1 $0x0  }
0x81: {  	[hbm4b:s17+s20] =	stream.linear.scatter @p1 [tilespmem:s19], [sflag:s18], $0x8000, $0x200038;
	[tilespmem:$0x10100] =	vst v63  }
0x82: {  	s17 =	simm.s32 $0x1;
	s19 =	simm.s32 $0x1;
	_ =	strace @p1 $0x90000056  }
0x83: {  	s17 =	simm.s32 @!p1 $0x0;
	p1 =	sne.s32 s11, $0x10;
	s11 =	sadd.s32 $0xFFFFFFFF, s11  }
0x84: {  	s18 =	sand.u32 @!p0 $0x1, s13;
	s19 =	simm.s32 @!p1 $0x0;
	p1 =	sne.s32 s11, $0x0  }
.Ltmp0:
0x85: {  	s18 =	sadd.s32 @!p0 $0x3, s18;
	_ =	strace @!p0 $0x80000057;
	(pc) =	sbr.rel @p1 .LBB2_2-.Ltmp0, $4  }
0x86: {  	_ =	swait.ge @!p0 [sflag:s18], $0x8000  }
0x87: {  	[sflag:s18] =	ssyncset.done @!p0 $0x0  }
0x88: {  	s16 =	sadd.s32 s21, s16;
	s14 =	sadd.s32 s17, s14;
	[sflag:s18] =	ssyncadd.s32 @!p0 $0xFFFF8000  }
0x89: {  	s15 =	sadd.s32 s17, s15;
	s13 =	sadd.s32 s19, s13;
	_ =	strace @!p0 $0x90000057  }
0x8a: {  	s10 =	sadd.s32 $0x1, s10  }
0x8b: {  	p0 =	sne.s32 s10, s7  }
.Ltmp1:
0x8c: {  	_ =	strace $0x80000058;
	(pc) =	sbr.rel @p0 .LBB2_1-.Ltmp1, $4  }
0x8d: {  	_ =	swait.ge [sflag:s9], $0x8000  }
0x8e: {  	[sflag:s9] =	ssyncset.done $0x0  }
0x8f: {  	[sflag:s9] =	ssyncadd.s32 $0xFFFF8000  }
0x90: {  	_ =	strace $0x90000058  }
0x91: {  	_ =	sfence.sel $0x180000  }
0x92: {  	[bflag:$0x0] =	sbarrier.arrive $0xFFFF  }
0x93: {  	p0 =	sne.s32 s3, $0x0;
	_ =	strace $0x90000051  }
0x94: {  	s0 =	sadd.s32 @!p0 $0x100000, s0;
	[bflag:$0x2] =	sbarrier.arrive $0xFFFF  }
0x95: {  	[sflag:s0] =	ssyncadd.tile.s32 @!p0 $0x1;
	_ =	shalt  }
.Lfunc_end2:
_tile_overlayer_lowered:
.L_overlay_start_2:
0x96: {  	(tag) =	ssettag $0x2  }
0x97: {  	s0 =	rddreg [dreg:$0x0];
	s2 =	stileid.u32  }
0x98: {  	s1 =	rddreg [dreg:$0x1];
	p0 =	sne.s32 s2, $0x0  }
0x99: {  	s3 =	rddreg [dreg:$0x2];
	[bflag:$0x3] =	sbarrier.arrive $0xFFFF;
	s2 =	simm.s32 @!p0 $0x1C01  }
0x9a: {  	[timem:s3], [sflag:s2] =	dma.local @!p0 [hbm:s0], s1  }
0x9b: {  	s0 =	simm.s32 @!p0 $0x1  }
0x9c: {  	_ =	swait.ge @!p0 [sflag:s0], s1  }
0x9d: {  	s1 =	ssub.s32 @!p0 $0x0, s1;
	[sflag:s0] =	ssyncset.done @!p0 $0x0  }
0x9e: {  	[sflag:s0] =	ssyncadd.s32 @!p0 s1  }
0x9f: {  	[bflag:$0x3] =	sbarrier.arrive $0xFFFF  }
0xa0: {  	_ =	shalt  }

</sc_bundles>
